<compile_context>
chip_gen: v7x
topology: tpu7x:2x2x1
jax: 0.10.2.dev20260603
libtpu: 0.0.44.dev20260713+nightly
codegen_flags: <defaults>
</compile_context>

<pallas_src>
import jax
import jax.numpy as jnp
from jax import lax
from jax.experimental import pallas as pl
from jax.experimental.pallas import tpu as pltpu
from jax.experimental.pallas import tpu_sc as plsc

DIM = 1024
E = 8
TOPK = 2
INTER = 512
SH = 1024
T = 2048
A = T * TOPK
BLK = 256
NB = A // BLK + E
P = NB * BLK
BT = 256
NC, NS = 2, 16
NW = NC * NS
TPW = T // NW
SPW = P // NW
GCH = 32
CCH = 32
SLOTC = 512
HD = DIM // 2


def _silu(v):
    return v * jax.nn.sigmoid(v)


def _mmT(a, b):
    return jax.lax.dot_general(a, b, (((1,), (1,)), ((), ())),
                               preferred_element_type=jnp.float32)


def _pack(v):
    u = lax.bitcast_convert_type(v, jnp.uint32)
    one = jnp.uint32(1)
    r = (u + jnp.uint32(0x7FFF) + ((u >> jnp.uint32(16)) & one)) >> jnp.uint32(16)
    w = r[:, :HD] | (r[:, HD:] << jnp.uint32(16))
    return lax.bitcast_convert_type(w, jnp.float32)


def _unpack(w):
    u = lax.bitcast_convert_type(w, jnp.uint32)
    lo = lax.bitcast_convert_type(u << jnp.uint32(16), jnp.float32)
    hi = lax.bitcast_convert_type(u & jnp.uint32(0xFFFF0000), jnp.float32)
    return jnp.concatenate([lo, hi], axis=1).astype(jnp.bfloat16)


def _route_body(x_ref, wg_ref, bias_ref,
                d0_ref, d1_ref, st_ref, w0_ref, w1_ref, be_ref, xw_ref):
    x = x_ref[...]
    xw_ref[...] = _pack(x)
    scores = jax.nn.sigmoid(_mmT(x, wg_ref[...]))
    biased = scores + bias_ref[...]
    lane = jax.lax.broadcasted_iota(jnp.int32, (T, E), 1)
    m0 = jnp.max(biased, axis=1, keepdims=True)
    i0 = jnp.min(jnp.where(biased == m0, lane, E), axis=1, keepdims=True)
    masked = jnp.where(lane == i0, -jnp.inf, biased)
    m1 = jnp.max(masked, axis=1, keepdims=True)
    i1 = jnp.min(jnp.where(masked == m1, lane, E), axis=1, keepdims=True)
    w0_ref[...] = jnp.sum(jnp.where(lane == i0, scores, 0.0), axis=1,
                          keepdims=True)
    w1_ref[...] = jnp.sum(jnp.where(lane == i1, scores, 0.0), axis=1,
                          keepdims=True)
    cnt = ((lane == i0).astype(jnp.float32)
           + (lane == i1).astype(jnp.float32))
    r2 = jax.lax.broadcasted_iota(jnp.int32, (T, T), 0)
    c2 = jax.lax.broadcasted_iota(jnp.int32, (T, T), 1)
    tri = (c2 <= r2).astype(jnp.bfloat16)
    inc = jax.lax.dot_general(tri, cnt.astype(jnp.bfloat16),
                              (((1,), (0,)), ((), ())),
                              preferred_element_type=jnp.float32)
    exc = inc - cnt
    counts = inc[T - 1:T, :]
    nb = jnp.floor((counts + (BLK - 1)) * (1.0 / BLK))
    r8 = jax.lax.broadcasted_iota(jnp.int32, (E, E), 0)
    c8 = jax.lax.broadcasted_iota(jnp.int32, (E, E), 1)
    su = (r8 < c8).astype(jnp.float32)
    offb = jax.lax.dot_general(nb, su, (((1,), (0,)), ((), ())),
                               preferred_element_type=jnp.float32)
    offs = offb * float(BLK)
    d0 = jnp.sum(jnp.where(lane == i0, exc + offs, 0.0), axis=1, keepdims=True)
    d1 = jnp.sum(jnp.where(lane == i1, exc + offs, 0.0), axis=1, keepdims=True)
    d0_ref[...] = d0.astype(jnp.int32)
    d1_ref[...] = d1.astype(jnp.int32)
    ti = jax.lax.broadcasted_iota(jnp.int32, (T, SLOTC), 0).astype(jnp.float32)
    qi = jax.lax.broadcasted_iota(jnp.int32, (T, SLOTC), 1).astype(jnp.float32)
    for cidx in range(P // SLOTC):
        q = qi + float(cidx * SLOTC)
        mm = (d0 == q) | (d1 == q)
        pid = q[0:1, :]
        fb = pid - jnp.floor(pid * (1.0 / T)) * float(T)
        stv = fb + jnp.sum(jnp.where(mm, ti - fb, 0.0), axis=0, keepdims=True)
        st_ref[pl.ds(cidx, 1), :] = stv.astype(jnp.int32)
    offb_col = jnp.sum(jnp.where(r8 == c8, jnp.broadcast_to(offb, (E, E)),
                                 0.0), axis=1, keepdims=True)
    jb = jax.lax.broadcasted_iota(jnp.int32, (E, NB), 1).astype(jnp.float32)
    be = jnp.sum((jb >= offb_col).astype(jnp.float32), axis=0,
                 keepdims=True) - 1.0
    be_ref[...] = be.astype(jnp.int32)


def _dispatch_body(stok_hbm, x_hbm, xs_hbm,
                   idx_v, rows0_v, rows1_v, sg0, sg1, sw0, sw1):
    c = lax.axis_index("c")
    s = lax.axis_index("s")
    slot0 = c * (P // NC) + s * SPW
    pltpu.sync_copy(stok_hbm.at[pl.ds(slot0, SPW)], idx_v)
    bufs = (rows0_v, rows1_v)
    gsems = (sg0, sg1)
    wsems = (sw0, sw1)
    nch = SPW // GCH
    gps = [None] * nch
    wrs = [None] * nch
    for k in range(nch):
        if k >= 2:
            wrs[k - 2].wait()
        gps[k] = pltpu.async_copy(x_hbm.at[idx_v.at[pl.ds(k * GCH, GCH)]],
                                  bufs[k % 2], gsems[k % 2])
        if k >= 1:
            gps[k - 1].wait()
            wrs[k - 1] = pltpu.async_copy(
                bufs[(k - 1) % 2],
                xs_hbm.at[pl.ds(slot0 + (k - 1) * GCH, GCH)],
                wsems[(k - 1) % 2])
    gps[nch - 1].wait()
    wrs[nch - 1] = pltpu.async_copy(
        bufs[(nch - 1) % 2], xs_hbm.at[pl.ds(slot0 + (nch - 1) * GCH, GCH)],
        wsems[(nch - 1) % 2])
    wrs[nch - 2].wait()
    wrs[nch - 1].wait()


def _sharedh_body(xw_ref, ws1_ref, ws3_ref, hs_ref):
    bf16 = jnp.bfloat16
    x = _unpack(xw_ref[...])
    h = (_silu(_mmT(x, ws1_ref[...].astype(bf16)))
         * _mmT(x, ws3_ref[...].astype(bf16)))
    hs_ref[...] = h.astype(bf16)


def _grouped_body(be_ref, xs_ref, w1_ref, w3_ref, w2_ref, eo_ref):
    bf16 = jnp.bfloat16
    x = _unpack(xs_ref[...])
    h = (_silu(_mmT(x, w1_ref[0].astype(bf16)))
         * _mmT(x, w3_ref[0].astype(bf16)))
    eo = _mmT(h.astype(bf16), w2_ref[0].astype(bf16))
    eo_ref[...] = _pack(eo)


def _combine_body(d0_hbm, d1_hbm, eos_hbm, y0_hbm, y1_hbm,
                  d0_v, d1_v, rows0_v, rows1_v, sg0, sg1, sw0, sw1):
    wid = lax.axis_index("c") * NS + lax.axis_index("s")
    base = wid * TPW
    pltpu.sync_copy(d0_hbm.at[pl.ds(base, TPW)], d0_v)
    pltpu.sync_copy(d1_hbm.at[pl.ds(base, TPW)], d1_v)
    nch = TPW // CCH
    units = ([(d0_v, y0_hbm, k) for k in range(nch)]
             + [(d1_v, y1_hbm, k) for k in range(nch)])
    bufs = (rows0_v, rows1_v)
    gsems = (sg0, sg1)
    wsems = (sw0, sw1)
    n = len(units)
    gps = [None] * n
    wrs = [None] * n
    for u in range(n):
        idx_v, out_hbm, k = units[u]
        if u >= 2:
            wrs[u - 2].wait()
        gps[u] = pltpu.async_copy(eos_hbm.at[idx_v.at[pl.ds(k * CCH, CCH)]],
                                  bufs[u % 2], gsems[u % 2])
        if u >= 1:
            pidx, pout, pk = units[u - 1]
            gps[u - 1].wait()
            wrs[u - 1] = pltpu.async_copy(
                bufs[(u - 1) % 2], pout.at[pl.ds(base + pk * CCH, CCH)],
                wsems[(u - 1) % 2])
    lidx, lout, lk = units[n - 1]
    gps[n - 1].wait()
    wrs[n - 1] = pltpu.async_copy(
        bufs[(n - 1) % 2], lout.at[pl.ds(base + lk * CCH, CCH)],
        wsems[(n - 1) % 2])
    wrs[n - 2].wait()
    wrs[n - 1].wait()


def _final_body(hs_ref, y0_ref, y1_ref, w0_ref, w1_ref, ws2_ref, o_ref):
    z = _mmT(hs_ref[...], ws2_ref[...].astype(jnp.bfloat16))
    y0 = _unpack(y0_ref[...]).astype(jnp.float32)
    y1 = _unpack(y1_ref[...]).astype(jnp.float32)
    o_ref[...] = z + w0_ref[...] * y0 + w1_ref[...] * y1


@jax.jit
def _run(x, Wg, expert_bias, W1, W2, W3, Ws1, Ws2, Ws3):
    shape = x.shape
    xf = x.reshape(-1, DIM)
    bias2 = expert_bias.reshape(1, E)
    f32 = jnp.float32
    i32 = jnp.int32
    bf16 = jnp.bfloat16

    d0, d1, st, w0, w1, be, xw = pl.pallas_call(
        _route_body,
        out_shape=(
            jax.ShapeDtypeStruct((T, 1), i32),
            jax.ShapeDtypeStruct((T, 1), i32),
            jax.ShapeDtypeStruct((P // SLOTC, SLOTC), i32),
            jax.ShapeDtypeStruct((T, 1), f32),
            jax.ShapeDtypeStruct((T, 1), f32),
            jax.ShapeDtypeStruct((1, NB), i32),
            jax.ShapeDtypeStruct((T, HD), f32),
        ),
    )(xf, Wg, bias2)
    d0 = d0.reshape(T)
    d1 = d1.reshape(T)

    mesh = plsc.VectorSubcoreMesh(core_axis_name="c", subcore_axis_name="s",
                                  num_cores=NC, num_subcores=NS)
    xs = pl.kernel(
        _dispatch_body,
        out_type=jax.ShapeDtypeStruct((P, HD), f32),
        mesh=mesh,
        scratch_types=[
            pltpu.VMEM((SPW,), i32),
            pltpu.VMEM((GCH, HD), f32),
            pltpu.VMEM((GCH, HD), f32),
            pltpu.SemaphoreType.DMA,
            pltpu.SemaphoreType.DMA,
            pltpu.SemaphoreType.DMA,
            pltpu.SemaphoreType.DMA,
        ],
    )(st.reshape(P), xw)

    hs = pl.pallas_call(
        _sharedh_body,
        grid=(T // BT,),
        in_specs=[
            pl.BlockSpec((BT, HD), lambda i: (i, 0)),
            pl.BlockSpec((SH, DIM), lambda i: (0, 0)),
            pl.BlockSpec((SH, DIM), lambda i: (0, 0)),
        ],
        out_specs=pl.BlockSpec((BT, SH), lambda i: (i, 0)),
        out_shape=jax.ShapeDtypeStruct((T, SH), bf16),
    )(xw, Ws1, Ws3)

    eos = pl.pallas_call(
        _grouped_body,
        grid_spec=pltpu.PrefetchScalarGridSpec(
            num_scalar_prefetch=1,
            grid=(NB,),
            in_specs=[
                pl.BlockSpec((BLK, HD), lambda i, be: (i, 0)),
                pl.BlockSpec((1, INTER, DIM), lambda i, be: (be[i], 0, 0)),
                pl.BlockSpec((1, INTER, DIM), lambda i, be: (be[i], 0, 0)),
                pl.BlockSpec((1, DIM, INTER), lambda i, be: (be[i], 0, 0)),
            ],
            out_specs=pl.BlockSpec((BLK, HD), lambda i, be: (i, 0)),
        ),
        out_shape=jax.ShapeDtypeStruct((P, HD), f32),
    )(be.reshape(NB), xs, W1, W3, W2)

    y0, y1 = pl.kernel(
        _combine_body,
        out_type=(
            jax.ShapeDtypeStruct((T, HD), f32),
            jax.ShapeDtypeStruct((T, HD), f32),
        ),
        mesh=mesh,
        scratch_types=[
            pltpu.VMEM((TPW,), i32),
            pltpu.VMEM((TPW,), i32),
            pltpu.VMEM((CCH, HD), f32),
            pltpu.VMEM((CCH, HD), f32),
            pltpu.SemaphoreType.DMA,
            pltpu.SemaphoreType.DMA,
            pltpu.SemaphoreType.DMA,
            pltpu.SemaphoreType.DMA,
        ],
    )(d0, d1, eos)

    out = pl.pallas_call(
        _final_body,
        grid=(T // BT,),
        in_specs=[
            pl.BlockSpec((BT, SH), lambda i: (i, 0)),
            pl.BlockSpec((BT, HD), lambda i: (i, 0)),
            pl.BlockSpec((BT, HD), lambda i: (i, 0)),
            pl.BlockSpec((BT, 1), lambda i: (i, 0)),
            pl.BlockSpec((BT, 1), lambda i: (i, 0)),
            pl.BlockSpec((DIM, SH), lambda i: (0, 0)),
        ],
        out_specs=pl.BlockSpec((BT, DIM), lambda i: (i, 0)),
        out_shape=jax.ShapeDtypeStruct((T, DIM), f32),
    )(hs, y0, y1, w0, w1, Ws2)

    return out.reshape(shape)


def kernel(x, Wg, expert_bias, W1, W2, W3, Ws1, Ws2, Ws3):
    return _run(x, Wg, expert_bias, W1, W2, W3, Ws1, Ws2, Ws3)

# --- scband reference (transcript-rebuilt; emitter-appended) ---
"""Pipeline reference for scband-mo-e-89498528514729 (READ-ONLY COPY).

The authoritative reference and input builder live on the scoring server;
editing this copy changes nothing except your own understanding.
"""

import jax, jax.numpy as jnp
import numpy as np

DIM = 1024
E = 8
TOPK = 2
INTER = 512
N_SHARED = 2
SHARED_INTER = N_SHARED * INTER
ROUTE_SCALE = 1.0
INIT_STD = 0.02


def setup_inputs(seed: int = 0) -> dict:
    key = jax.random.key(seed)
    ks = jax.random.split(key, 9)
    x = jax.random.normal(ks[0], (1, 2048, DIM), dtype=jnp.float32)
    Wg = jax.random.normal(ks[1], (E, DIM), dtype=jnp.float32) * INIT_STD
    expert_bias = jnp.zeros((E,), dtype=jnp.float32)
    W1 = jax.random.normal(ks[2], (E, INTER, DIM), dtype=jnp.float32) * INIT_STD
    W2 = jax.random.normal(ks[3], (E, DIM, INTER), dtype=jnp.float32) * INIT_STD
    W3 = jax.random.normal(ks[4], (E, INTER, DIM), dtype=jnp.float32) * INIT_STD
    Ws1 = jax.random.normal(ks[5], (SHARED_INTER, DIM), dtype=jnp.float32) * INIT_STD
    Ws2 = jax.random.normal(ks[6], (DIM, SHARED_INTER), dtype=jnp.float32) * INIT_STD
    Ws3 = jax.random.normal(ks[7], (SHARED_INTER, DIM), dtype=jnp.float32) * INIT_STD
    return {"x": x, "Wg": Wg, "expert_bias": expert_bias, "W1": W1, "W2": W2, "W3": W3, "Ws1": Ws1, "Ws2": Ws2, "Ws3": Ws3}


def reference(x, Wg, expert_bias, W1, W2, W3, Ws1, Ws2, Ws3):
    shape = x.shape
    xf = x.reshape(-1, DIM)
    T = xf.shape[0]
    # Gate: sigmoid scores, bias-corrected top-k routing (n_groups == 1 so group masking is skipped)
    scores = jax.nn.sigmoid(xf @ Wg.T)              # [T, E]
    original_scores = scores
    biased = scores + expert_bias[None, :]
    _, indices = jax.lax.top_k(biased, TOPK)        # [T, TOPK]
    weights = jnp.take_along_axis(original_scores, indices, axis=1) * ROUTE_SCALE  # [T, TOPK]
    # Scatter routing weights into a dense combine matrix [T, E]
    combine = jnp.zeros((T, E), dtype=xf.dtype).at[jnp.arange(T)[:, None], indices].add(weights)
    # Routed experts (SwiGLU), computed densely and combined with zero weight for unselected experts
    h = jax.nn.silu(jnp.einsum('td,eid->eti', xf, W1)) * jnp.einsum('td,eid->eti', xf, W3)  # [E, T, INTER]
    eo = jnp.einsum('eti,edi->etd', h, W2)          # [E, T, DIM]
    y = jnp.einsum('etd,te->td', eo, combine)       # [T, DIM]
    # Shared experts MLP (SwiGLU)
    z = (jax.nn.silu(xf @ Ws1.T) * (xf @ Ws3.T)) @ Ws2.T
    return (y + z).reshape(shape)

if __name__ == "__main__":
    import jax
    _d = setup_inputs()
    print(jax.jit(kernel)(*tuple(_d.values())))

</pallas_src>

<mosaic_0001>
#map = affine_map<(d0, d1) -> (0)>
#map1 = affine_map<(d0, d1) -> (0, 0)>
module attributes {stable_mosaic.version = 14 : i64} {
  func.func @_combine_body(%arg0: i32, %arg1: i32, %arg2: memref<2048xi32, #tpu.memory_space<hbm>>, %arg3: memref<2048xi32, #tpu.memory_space<hbm>>, %arg4: memref<6144x512xf32, #tpu.memory_space<hbm>>, %arg5: memref<2048x512xf32, #tpu.memory_space<hbm>>, %arg6: memref<2048x512xf32, #tpu.memory_space<hbm>>, %arg7: memref<64xi32, #tpu.memory_space<vmem>>, %arg8: memref<64xi32, #tpu.memory_space<vmem>>, %arg9: memref<32x512xf32, #tpu.memory_space<vmem>>, %arg10: memref<32x512xf32, #tpu.memory_space<vmem>>, %arg11: memref<!tpu.dma_semaphore, #tpu.memory_space<semaphore_mem>>, %arg12: memref<!tpu.dma_semaphore, #tpu.memory_space<semaphore_mem>>, %arg13: memref<!tpu.dma_semaphore, #tpu.memory_space<semaphore_mem>>, %arg14: memref<!tpu.dma_semaphore, #tpu.memory_space<semaphore_mem>>) attributes {dimension_semantics = [#tpu.dimension_semantics<core_parallel>, #tpu.dimension_semantics<subcore_parallel>], iteration_bounds = array<i64: 2, 16>, scalar_prefetch = 0 : i64, scratch_operands = 8 : i64, tpu.core_type = #tpu.core_type<sc_vector_subcore>, window_params = [{transform_indices = #map}, {transform_indices = #map}, {transform_indices = #map1}, {transform_indices = #map1}, {transform_indices = #map1}]} {
    %mul3A = arith.constant 16 : i32
    %mul3A_0 = arith.muli %arg0, %mul3A : i32
    %add3A = arith.addi %mul3A_0, %arg1 : i32
    %mul3A_1 = arith.constant 64 : i32
    %mul3A_2 = arith.muli %add3A, %mul3A_1 : i32
    "tpu.region"() ({
      %run_scoped3A = tpu.sem_alloc : memref<!tpu.dma_semaphore, #tpu.memory_space<semaphore_mem>>
      %dma_start3A_81 = tpu.memref_slice %arg2[%mul3A_2] : memref<2048xi32, #tpu.memory_space<hbm>> -> memref<64xi32, #tpu.memory_space<hbm>>
      %dma_start3A_82 = tpu.memref_slice %arg2[%mul3A_2] : memref<2048xi32, #tpu.memory_space<hbm>> -> memref<64xi32, #tpu.memory_space<hbm>>
      tpu.enqueue_dma source(%dma_start3A_82 : memref<64xi32, #tpu.memory_space<hbm>>) target(%arg7 : memref<64xi32, #tpu.memory_space<vmem>>) target_semaphore(%run_scoped3A : memref<!tpu.dma_semaphore, #tpu.memory_space<semaphore_mem>>)
      %dma_wait3A_83 = tpu.memref_slice %arg2[%mul3A_2] : memref<2048xi32, #tpu.memory_space<hbm>> -> memref<64xi32, #tpu.memory_space<hbm>>
      %dma_wait3A_84 = tpu.memref_slice %arg2[%mul3A_2] : memref<2048xi32, #tpu.memory_space<hbm>> -> memref<64xi32, #tpu.memory_space<hbm>>
      tpu.wait_dma2 semaphore(%run_scoped3A : memref<!tpu.dma_semaphore, #tpu.memory_space<semaphore_mem>>) src(%dma_wait3A_84 : memref<64xi32, #tpu.memory_space<hbm>>) dst(%arg7 : memref<64xi32, #tpu.memory_space<vmem>>)
      tpu.yield
    }) : () -> ()
    "tpu.region"() ({
      %run_scoped3A = tpu.sem_alloc : memref<!tpu.dma_semaphore, #tpu.memory_space<semaphore_mem>>
      %dma_start3A_81 = tpu.memref_slice %arg3[%mul3A_2] : memref<2048xi32, #tpu.memory_space<hbm>> -> memref<64xi32, #tpu.memory_space<hbm>>
      %dma_start3A_82 = tpu.memref_slice %arg3[%mul3A_2] : memref<2048xi32, #tpu.memory_space<hbm>> -> memref<64xi32, #tpu.memory_space<hbm>>
      tpu.enqueue_dma source(%dma_start3A_82 : memref<64xi32, #tpu.memory_space<hbm>>) target(%arg8 : memref<64xi32, #tpu.memory_space<vmem>>) target_semaphore(%run_scoped3A : memref<!tpu.dma_semaphore, #tpu.memory_space<semaphore_mem>>)
      %dma_wait3A_83 = tpu.memref_slice %arg3[%mul3A_2] : memref<2048xi32, #tpu.memory_space<hbm>> -> memref<64xi32, #tpu.memory_space<hbm>>
      %dma_wait3A_84 = tpu.memref_slice %arg3[%mul3A_2] : memref<2048xi32, #tpu.memory_space<hbm>> -> memref<64xi32, #tpu.memory_space<hbm>>
      tpu.wait_dma2 semaphore(%run_scoped3A : memref<!tpu.dma_semaphore, #tpu.memory_space<semaphore_mem>>) src(%dma_wait3A_84 : memref<64xi32, #tpu.memory_space<hbm>>) dst(%arg8 : memref<64xi32, #tpu.memory_space<vmem>>)
      tpu.yield
    }) : () -> ()
    %dma_start3A = arith.constant 0 : i32
    %dma_start3A_3 = tpu.memref_slice %arg7[%dma_start3A] : memref<64xi32, #tpu.memory_space<vmem>> -> memref<32xi32, #tpu.memory_space<vmem>>
    %dma_start3A_4 = arith.constant 0 : i32
    %dma_start3A_5 = arith.constant 0 : i32
    %dma_start3A_6 = tpu.memref_slice %arg4[%dma_start3A_4, %dma_start3A_5] : memref<6144x512xf32, #tpu.memory_space<hbm>> -> memref<6144x512xf32, #tpu.memory_space<hbm>>
    tpu.enqueue_indirect_dma source(%dma_start3A_6 : memref<6144x512xf32, #tpu.memory_space<hbm>>) target(%arg9 : memref<32x512xf32, #tpu.memory_space<vmem>>) offsets(%dma_start3A_3 : memref<32xi32, #tpu.memory_space<vmem>>) semaphore(%arg11 : memref<!tpu.dma_semaphore, #tpu.memory_space<semaphore_mem>>)
    %dma_start3A_7 = arith.constant 32 : i32
    %dma_start3A_8 = tpu.memref_slice %arg7[%dma_start3A_7] : memref<64xi32, #tpu.memory_space<vmem>> -> memref<32xi32, #tpu.memory_space<vmem>>
    %dma_start3A_9 = arith.constant 0 : i32
    %dma_start3A_10 = arith.constant 0 : i32
    %dma_start3A_11 = tpu.memref_slice %arg4[%dma_start3A_9, %dma_start3A_10] : memref<6144x512xf32, #tpu.memory_space<hbm>> -> memref<6144x512xf32, #tpu.memory_space<hbm>>
    tpu.enqueue_indirect_dma source(%dma_start3A_11 : memref<6144x512xf32, #tpu.memory_space<hbm>>) target(%arg10 : memref<32x512xf32, #tpu.memory_space<vmem>>) offsets(%dma_start3A_8 : memref<32xi32, #tpu.memory_space<vmem>>) semaphore(%arg12 : memref<!tpu.dma_semaphore, #tpu.memory_space<semaphore_mem>>)
    %dma_wait3A = arith.constant 0 : i32
    %dma_wait3A_12 = tpu.memref_slice %arg7[%dma_wait3A] : memref<64xi32, #tpu.memory_space<vmem>> -> memref<32xi32, #tpu.memory_space<vmem>>
    %dma_wait3A_13 = arith.constant 0 : i32
    %dma_wait3A_14 = arith.constant 0 : i32
    %dma_wait3A_15 = tpu.memref_slice %arg4[%dma_wait3A_13, %dma_wait3A_14] : memref<6144x512xf32, #tpu.memory_space<hbm>> -> memref<6144x512xf32, #tpu.memory_space<hbm>>
    tpu.wait_indirect_dma semaphore(%arg11 : memref<!tpu.dma_semaphore, #tpu.memory_space<semaphore_mem>>) src(%dma_wait3A_15 : memref<6144x512xf32, #tpu.memory_space<hbm>>) dst(%arg9 : memref<32x512xf32, #tpu.memory_space<vmem>>)
    %add3A_16 = arith.constant 0 : i32
    %add3A_17 = arith.addi %mul3A_2, %add3A_16 : i32
    %dma_start3A_18 = arith.constant 0 : i32
    %dma_start3A_19 = tpu.memref_slice %arg5[%add3A_17, %dma_start3A_18] : memref<2048x512xf32, #tpu.memory_space<hbm>> -> memref<32x512xf32, #tpu.memory_space<hbm>>
    %dma_start3A_20 = arith.constant 0 : i32
    %dma_start3A_21 = tpu.memref_slice %arg5[%add3A_17, %dma_start3A_20] : memref<2048x512xf32, #tpu.memory_space<hbm>> -> memref<32x512xf32, #tpu.memory_space<hbm>>
    tpu.enqueue_dma source(%arg9 : memref<32x512xf32, #tpu.memory_space<vmem>>) target(%dma_start3A_21 : memref<32x512xf32, #tpu.memory_space<hbm>>) target_semaphore(%arg13 : memref<!tpu.dma_semaphore, #tpu.memory_space<semaphore_mem>>)
    %dma_wait3A_22 = arith.constant 0 : i32
    %dma_wait3A_23 = tpu.memref_slice %arg5[%add3A_17, %dma_wait3A_22] : memref<2048x512xf32, #tpu.memory_space<hbm>> -> memref<32x512xf32, #tpu.memory_space<hbm>>
    %dma_wait3A_24 = arith.constant 0 : i32
    %dma_wait3A_25 = tpu.memref_slice %arg5[%add3A_17, %dma_wait3A_24] : memref<2048x512xf32, #tpu.memory_space<hbm>> -> memref<32x512xf32, #tpu.memory_space<hbm>>
    tpu.wait_dma2 semaphore(%arg13 : memref<!tpu.dma_semaphore, #tpu.memory_space<semaphore_mem>>) src(%arg9 : memref<32x512xf32, #tpu.memory_space<vmem>>) dst(%dma_wait3A_25 : memref<32x512xf32, #tpu.memory_space<hbm>>)
    %dma_start3A_26 = arith.constant 0 : i32
    %dma_start3A_27 = tpu.memref_slice %arg8[%dma_start3A_26] : memref<64xi32, #tpu.memory_space<vmem>> -> memref<32xi32, #tpu.memory_space<vmem>>
    %dma_start3A_28 = arith.constant 0 : i32
    %dma_start3A_29 = arith.constant 0 : i32
    %dma_start3A_30 = tpu.memref_slice %arg4[%dma_start3A_28, %dma_start3A_29] : memref<6144x512xf32, #tpu.memory_space<hbm>> -> memref<6144x512xf32, #tpu.memory_space<hbm>>
    tpu.enqueue_indirect_dma source(%dma_start3A_30 : memref<6144x512xf32, #tpu.memory_space<hbm>>) target(%arg9 : memref<32x512xf32, #tpu.memory_space<vmem>>) offsets(%dma_start3A_27 : memref<32xi32, #tpu.memory_space<vmem>>) semaphore(%arg11 : memref<!tpu.dma_semaphore, #tpu.memory_space<semaphore_mem>>)
    %dma_wait3A_31 = arith.constant 32 : i32
    %dma_wait3A_32 = tpu.memref_slice %arg7[%dma_wait3A_31] : memref<64xi32, #tpu.memory_space<vmem>> -> memref<32xi32, #tpu.memory_space<vmem>>
    %dma_wait3A_33 = arith.constant 0 : i32
    %dma_wait3A_34 = arith.constant 0 : i32
    %dma_wait3A_35 = tpu.memref_slice %arg4[%dma_wait3A_33, %dma_wait3A_34] : memref<6144x512xf32, #tpu.memory_space<hbm>> -> memref<6144x512xf32, #tpu.memory_space<hbm>>
    tpu.wait_indirect_dma semaphore(%arg12 : memref<!tpu.dma_semaphore, #tpu.memory_space<semaphore_mem>>) src(%dma_wait3A_35 : memref<6144x512xf32, #tpu.memory_space<hbm>>) dst(%arg10 : memref<32x512xf32, #tpu.memory_space<vmem>>)
    %add3A_36 = arith.constant 32 : i32
    %add3A_37 = arith.addi %mul3A_2, %add3A_36 : i32
    %dma_start3A_38 = arith.constant 0 : i32
    %dma_start3A_39 = tpu.memref_slice %arg5[%add3A_37, %dma_start3A_38] : memref<2048x512xf32, #tpu.memory_space<hbm>> -> memref<32x512xf32, #tpu.memory_space<hbm>>
    %dma_start3A_40 = arith.constant 0 : i32
    %dma_start3A_41 = tpu.memref_slice %arg5[%add3A_37, %dma_start3A_40] : memref<2048x512xf32, #tpu.memory_space<hbm>> -> memref<32x512xf32, #tpu.memory_space<hbm>>
    tpu.enqueue_dma source(%arg10 : memref<32x512xf32, #tpu.memory_space<vmem>>) target(%dma_start3A_41 : memref<32x512xf32, #tpu.memory_space<hbm>>) target_semaphore(%arg14 : memref<!tpu.dma_semaphore, #tpu.memory_space<semaphore_mem>>)
    %dma_wait3A_42 = arith.constant 0 : i32
    %dma_wait3A_43 = tpu.memref_slice %arg5[%add3A_37, %dma_wait3A_42] : memref<2048x512xf32, #tpu.memory_space<hbm>> -> memref<32x512xf32, #tpu.memory_space<hbm>>
    %dma_wait3A_44 = arith.constant 0 : i32
    %dma_wait3A_45 = tpu.memref_slice %arg5[%add3A_37, %dma_wait3A_44] : memref<2048x512xf32, #tpu.memory_space<hbm>> -> memref<32x512xf32, #tpu.memory_space<hbm>>
    tpu.wait_dma2 semaphore(%arg14 : memref<!tpu.dma_semaphore, #tpu.memory_space<semaphore_mem>>) src(%arg10 : memref<32x512xf32, #tpu.memory_space<vmem>>) dst(%dma_wait3A_45 : memref<32x512xf32, #tpu.memory_space<hbm>>)
    %dma_start3A_46 = arith.constant 32 : i32
    %dma_start3A_47 = tpu.memref_slice %arg8[%dma_start3A_46] : memref<64xi32, #tpu.memory_space<vmem>> -> memref<32xi32, #tpu.memory_space<vmem>>
    %dma_start3A_48 = arith.constant 0 : i32
    %dma_start3A_49 = arith.constant 0 : i32
    %dma_start3A_50 = tpu.memref_slice %arg4[%dma_start3A_48, %dma_start3A_49] : memref<6144x512xf32, #tpu.memory_space<hbm>> -> memref<6144x512xf32, #tpu.memory_space<hbm>>
    tpu.enqueue_indirect_dma source(%dma_start3A_50 : memref<6144x512xf32, #tpu.memory_space<hbm>>) target(%arg10 : memref<32x512xf32, #tpu.memory_space<vmem>>) offsets(%dma_start3A_47 : memref<32xi32, #tpu.memory_space<vmem>>) semaphore(%arg12 : memref<!tpu.dma_semaphore, #tpu.memory_space<semaphore_mem>>)
    %dma_wait3A_51 = arith.constant 0 : i32
    %dma_wait3A_52 = tpu.memref_slice %arg8[%dma_wait3A_51] : memref<64xi32, #tpu.memory_space<vmem>> -> memref<32xi32, #tpu.memory_space<vmem>>
    %dma_wait3A_53 = arith.constant 0 : i32
    %dma_wait3A_54 = arith.constant 0 : i32
    %dma_wait3A_55 = tpu.memref_slice %arg4[%dma_wait3A_53, %dma_wait3A_54] : memref<6144x512xf32, #tpu.memory_space<hbm>> -> memref<6144x512xf32, #tpu.memory_space<hbm>>
    tpu.wait_indirect_dma semaphore(%arg11 : memref<!tpu.dma_semaphore, #tpu.memory_space<semaphore_mem>>) src(%dma_wait3A_55 : memref<6144x512xf32, #tpu.memory_space<hbm>>) dst(%arg9 : memref<32x512xf32, #tpu.memory_space<vmem>>)
    %add3A_56 = arith.constant 0 : i32
    %add3A_57 = arith.addi %mul3A_2, %add3A_56 : i32
    %dma_start3A_58 = arith.constant 0 : i32
    %dma_start3A_59 = tpu.memref_slice %arg6[%add3A_57, %dma_start3A_58] : memref<2048x512xf32, #tpu.memory_space<hbm>> -> memref<32x512xf32, #tpu.memory_space<hbm>>
    %dma_start3A_60 = arith.constant 0 : i32
    %dma_start3A_61 = tpu.memref_slice %arg6[%add3A_57, %dma_start3A_60] : memref<2048x512xf32, #tpu.memory_space<hbm>> -> memref<32x512xf32, #tpu.memory_space<hbm>>
    tpu.enqueue_dma source(%arg9 : memref<32x512xf32, #tpu.memory_space<vmem>>) target(%dma_start3A_61 : memref<32x512xf32, #tpu.memory_space<hbm>>) target_semaphore(%arg13 : memref<!tpu.dma_semaphore, #tpu.memory_space<semaphore_mem>>)
    %dma_wait3A_62 = arith.constant 32 : i32
    %dma_wait3A_63 = tpu.memref_slice %arg8[%dma_wait3A_62] : memref<64xi32, #tpu.memory_space<vmem>> -> memref<32xi32, #tpu.memory_space<vmem>>
    %dma_wait3A_64 = arith.constant 0 : i32
    %dma_wait3A_65 = arith.constant 0 : i32
    %dma_wait3A_66 = tpu.memref_slice %arg4[%dma_wait3A_64, %dma_wait3A_65] : memref<6144x512xf32, #tpu.memory_space<hbm>> -> memref<6144x512xf32, #tpu.memory_space<hbm>>
    tpu.wait_indirect_dma semaphore(%arg12 : memref<!tpu.dma_semaphore, #tpu.memory_space<semaphore_mem>>) src(%dma_wait3A_66 : memref<6144x512xf32, #tpu.memory_space<hbm>>) dst(%arg10 : memref<32x512xf32, #tpu.memory_space<vmem>>)
    %add3A_67 = arith.constant 32 : i32
    %add3A_68 = arith.addi %mul3A_2, %add3A_67 : i32
    %dma_start3A_69 = arith.constant 0 : i32
    %dma_start3A_70 = tpu.memref_slice %arg6[%add3A_68, %dma_start3A_69] : memref<2048x512xf32, #tpu.memory_space<hbm>> -> memref<32x512xf32, #tpu.memory_space<hbm>>
    %dma_start3A_71 = arith.constant 0 : i32
    %dma_start3A_72 = tpu.memref_slice %arg6[%add3A_68, %dma_start3A_71] : memref<2048x512xf32, #tpu.memory_space<hbm>> -> memref<32x512xf32, #tpu.memory_space<hbm>>
    tpu.enqueue_dma source(%arg10 : memref<32x512xf32, #tpu.memory_space<vmem>>) target(%dma_start3A_72 : memref<32x512xf32, #tpu.memory_space<hbm>>) target_semaphore(%arg14 : memref<!tpu.dma_semaphore, #tpu.memory_space<semaphore_mem>>)
    %dma_wait3A_73 = arith.constant 0 : i32
    %dma_wait3A_74 = tpu.memref_slice %arg6[%add3A_57, %dma_wait3A_73] : memref<2048x512xf32, #tpu.memory_space<hbm>> -> memref<32x512xf32, #tpu.memory_space<hbm>>
    %dma_wait3A_75 = arith.constant 0 : i32
    %dma_wait3A_76 = tpu.memref_slice %arg6[%add3A_57, %dma_wait3A_75] : memref<2048x512xf32, #tpu.memory_space<hbm>> -> memref<32x512xf32, #tpu.memory_space<hbm>>
    tpu.wait_dma2 semaphore(%arg13 : memref<!tpu.dma_semaphore, #tpu.memory_space<semaphore_mem>>) src(%arg9 : memref<32x512xf32, #tpu.memory_space<vmem>>) dst(%dma_wait3A_76 : memref<32x512xf32, #tpu.memory_space<hbm>>)
    %dma_wait3A_77 = arith.constant 0 : i32
    %dma_wait3A_78 = tpu.memref_slice %arg6[%add3A_68, %dma_wait3A_77] : memref<2048x512xf32, #tpu.memory_space<hbm>> -> memref<32x512xf32, #tpu.memory_space<hbm>>
    %dma_wait3A_79 = arith.constant 0 : i32
    %dma_wait3A_80 = tpu.memref_slice %arg6[%add3A_68, %dma_wait3A_79] : memref<2048x512xf32, #tpu.memory_space<hbm>> -> memref<32x512xf32, #tpu.memory_space<hbm>>
    tpu.wait_dma2 semaphore(%arg14 : memref<!tpu.dma_semaphore, #tpu.memory_space<semaphore_mem>>) src(%arg10 : memref<32x512xf32, #tpu.memory_space<vmem>>) dst(%dma_wait3A_80 : memref<32x512xf32, #tpu.memory_space<hbm>>)
    return
  }
}

#map = affine_map<(d0, d1) -> (0)>
#map1 = affine_map<(d0, d1) -> (0, 0)>
module attributes {stable_mosaic.version = 14 : i64} {
  func.func @_dispatch_body(%arg0: i32, %arg1: i32, %arg2: memref<6144xi32, #tpu.memory_space<hbm>>, %arg3: memref<2048x512xf32, #tpu.memory_space<hbm>>, %arg4: memref<6144x512xf32, #tpu.memory_space<hbm>>, %arg5: memref<192xi32, #tpu.memory_space<vmem>>, %arg6: memref<32x512xf32, #tpu.memory_space<vmem>>, %arg7: memref<32x512xf32, #tpu.memory_space<vmem>>, %arg8: memref<!tpu.dma_semaphore, #tpu.memory_space<semaphore_mem>>, %arg9: memref<!tpu.dma_semaphore, #tpu.memory_space<semaphore_mem>>, %arg10: memref<!tpu.dma_semaphore, #tpu.memory_space<semaphore_mem>>, %arg11: memref<!tpu.dma_semaphore, #tpu.memory_space<semaphore_mem>>) attributes {dimension_semantics = [#tpu.dimension_semantics<core_parallel>, #tpu.dimension_semantics<subcore_parallel>], iteration_bounds = array<i64: 2, 16>, scalar_prefetch = 0 : i64, scratch_operands = 7 : i64, tpu.core_type = #tpu.core_type<sc_vector_subcore>, window_params = [{transform_indices = #map}, {transform_indices = #map1}, {transform_indices = #map1}]} {
    %mul3A = arith.constant 3072 : i32
    %mul3A_0 = arith.muli %arg0, %mul3A : i32
    %mul3A_1 = arith.constant 192 : i32
    %mul3A_2 = arith.muli %arg1, %mul3A_1 : i32
    %add3A = arith.addi %mul3A_0, %mul3A_2 : i32
    "tpu.region"() ({
      %run_scoped3A = tpu.sem_alloc : memref<!tpu.dma_semaphore, #tpu.memory_space<semaphore_mem>>
      %dma_start3A_121 = tpu.memref_slice %arg2[%add3A] : memref<6144xi32, #tpu.memory_space<hbm>> -> memref<192xi32, #tpu.memory_space<hbm>>
      %dma_start3A_122 = tpu.memref_slice %arg2[%add3A] : memref<6144xi32, #tpu.memory_space<hbm>> -> memref<192xi32, #tpu.memory_space<hbm>>
      tpu.enqueue_dma source(%dma_start3A_122 : memref<192xi32, #tpu.memory_space<hbm>>) target(%arg5 : memref<192xi32, #tpu.memory_space<vmem>>) target_semaphore(%run_scoped3A : memref<!tpu.dma_semaphore, #tpu.memory_space<semaphore_mem>>)
      %dma_wait3A_123 = tpu.memref_slice %arg2[%add3A] : memref<6144xi32, #tpu.memory_space<hbm>> -> memref<192xi32, #tpu.memory_space<hbm>>
      %dma_wait3A_124 = tpu.memref_slice %arg2[%add3A] : memref<6144xi32, #tpu.memory_space<hbm>> -> memref<192xi32, #tpu.memory_space<hbm>>
      tpu.wait_dma2 semaphore(%run_scoped3A : memref<!tpu.dma_semaphore, #tpu.memory_space<semaphore_mem>>) src(%dma_wait3A_124 : memref<192xi32, #tpu.memory_space<hbm>>) dst(%arg5 : memref<192xi32, #tpu.memory_space<vmem>>)
      tpu.yield
    }) : () -> ()
    %dma_start3A = arith.constant 0 : i32
    %dma_start3A_3 = tpu.memref_slice %arg5[%dma_start3A] : memref<192xi32, #tpu.memory_space<vmem>> -> memref<32xi32, #tpu.memory_space<vmem>>
    %dma_start3A_4 = arith.constant 0 : i32
    %dma_start3A_5 = arith.constant 0 : i32
    %dma_start3A_6 = tpu.memref_slice %arg3[%dma_start3A_4, %dma_start3A_5] : memref<2048x512xf32, #tpu.memory_space<hbm>> -> memref<2048x512xf32, #tpu.memory_space<hbm>>
    tpu.enqueue_indirect_dma source(%dma_start3A_6 : memref<2048x512xf32, #tpu.memory_space<hbm>>) target(%arg6 : memref<32x512xf32, #tpu.memory_space<vmem>>) offsets(%dma_start3A_3 : memref<32xi32, #tpu.memory_space<vmem>>) semaphore(%arg8 : memref<!tpu.dma_semaphore, #tpu.memory_space<semaphore_mem>>)
    %dma_start3A_7 = arith.constant 32 : i32
    %dma_start3A_8 = tpu.memref_slice %arg5[%dma_start3A_7] : memref<192xi32, #tpu.memory_space<vmem>> -> memref<32xi32, #tpu.memory_space<vmem>>
    %dma_start3A_9 = arith.constant 0 : i32
    %dma_start3A_10 = arith.constant 0 : i32
    %dma_start3A_11 = tpu.memref_slice %arg3[%dma_start3A_9, %dma_start3A_10] : memref<2048x512xf32, #tpu.memory_space<hbm>> -> memref<2048x512xf32, #tpu.memory_space<hbm>>
    tpu.enqueue_indirect_dma source(%dma_start3A_11 : memref<2048x512xf32, #tpu.memory_space<hbm>>) target(%arg7 : memref<32x512xf32, #tpu.memory_space<vmem>>) offsets(%dma_start3A_8 : memref<32xi32, #tpu.memory_space<vmem>>) semaphore(%arg9 : memref<!tpu.dma_semaphore, #tpu.memory_space<semaphore_mem>>)
    %dma_wait3A = arith.constant 0 : i32
    %dma_wait3A_12 = tpu.memref_slice %arg5[%dma_wait3A] : memref<192xi32, #tpu.memory_space<vmem>> -> memref<32xi32, #tpu.memory_space<vmem>>
    %dma_wait3A_13 = arith.constant 0 : i32
    %dma_wait3A_14 = arith.constant 0 : i32
    %dma_wait3A_15 = tpu.memref_slice %arg3[%dma_wait3A_13, %dma_wait3A_14] : memref<2048x512xf32, #tpu.memory_space<hbm>> -> memref<2048x512xf32, #tpu.memory_space<hbm>>
    tpu.wait_indirect_dma semaphore(%arg8 : memref<!tpu.dma_semaphore, #tpu.memory_space<semaphore_mem>>) src(%dma_wait3A_15 : memref<2048x512xf32, #tpu.memory_space<hbm>>) dst(%arg6 : memref<32x512xf32, #tpu.memory_space<vmem>>)
    %add3A_16 = arith.constant 0 : i32
    %add3A_17 = arith.addi %add3A, %add3A_16 : i32
    %dma_start3A_18 = arith.constant 0 : i32
    %dma_start3A_19 = tpu.memref_slice %arg4[%add3A_17, %dma_start3A_18] : memref<6144x512xf32, #tpu.memory_space<hbm>> -> memref<32x512xf32, #tpu.memory_space<hbm>>
    %dma_start3A_20 = arith.constant 0 : i32
    %dma_start3A_21 = tpu.memref_slice %arg4[%add3A_17, %dma_start3A_20] : memref<6144x512xf32, #tpu.memory_space<hbm>> -> memref<32x512xf32, #tpu.memory_space<hbm>>
    tpu.enqueue_dma source(%arg6 : memref<32x512xf32, #tpu.memory_space<vmem>>) target(%dma_start3A_21 : memref<32x512xf32, #tpu.memory_space<hbm>>) target_semaphore(%arg10 : memref<!tpu.dma_semaphore, #tpu.memory_space<semaphore_mem>>)
    %dma_wait3A_22 = arith.constant 0 : i32
    %dma_wait3A_23 = tpu.memref_slice %arg4[%add3A_17, %dma_wait3A_22] : memref<6144x512xf32, #tpu.memory_space<hbm>> -> memref<32x512xf32, #tpu.memory_space<hbm>>
    %dma_wait3A_24 = arith.constant 0 : i32
    %dma_wait3A_25 = tpu.memref_slice %arg4[%add3A_17, %dma_wait3A_24] : memref<6144x512xf32, #tpu.memory_space<hbm>> -> memref<32x512xf32, #tpu.memory_space<hbm>>
    tpu.wait_dma2 semaphore(%arg10 : memref<!tpu.dma_semaphore, #tpu.memory_space<semaphore_mem>>) src(%arg6 : memref<32x512xf32, #tpu.memory_space<vmem>>) dst(%dma_wait3A_25 : memref<32x512xf32, #tpu.memory_space<hbm>>)
    %dma_start3A_26 = arith.constant 64 : i32
    %dma_start3A_27 = tpu.memref_slice %arg5[%dma_start3A_26] : memref<192xi32, #tpu.memory_space<vmem>> -> memref<32xi32, #tpu.memory_space<vmem>>
    %dma_start3A_28 = arith.constant 0 : i32
    %dma_start3A_29 = arith.constant 0 : i32
    %dma_start3A_30 = tpu.memref_slice %arg3[%dma_start3A_28, %dma_start3A_29] : memref<2048x512xf32, #tpu.memory_space<hbm>> -> memref<2048x512xf32, #tpu.memory_space<hbm>>
    tpu.enqueue_indirect_dma source(%dma_start3A_30 : memref<2048x512xf32, #tpu.memory_space<hbm>>) target(%arg6 : memref<32x512xf32, #tpu.memory_space<vmem>>) offsets(%dma_start3A_27 : memref<32xi32, #tpu.memory_space<vmem>>) semaphore(%arg8 : memref<!tpu.dma_semaphore, #tpu.memory_space<semaphore_mem>>)
    %dma_wait3A_31 = arith.constant 32 : i32
    %dma_wait3A_32 = tpu.memref_slice %arg5[%dma_wait3A_31] : memref<192xi32, #tpu.memory_space<vmem>> -> memref<32xi32, #tpu.memory_space<vmem>>
    %dma_wait3A_33 = arith.constant 0 : i32
    %dma_wait3A_34 = arith.constant 0 : i32
    %dma_wait3A_35 = tpu.memref_slice %arg3[%dma_wait3A_33, %dma_wait3A_34] : memref<2048x512xf32, #tpu.memory_space<hbm>> -> memref<2048x512xf32, #tpu.memory_space<hbm>>
    tpu.wait_indirect_dma semaphore(%arg9 : memref<!tpu.dma_semaphore, #tpu.memory_space<semaphore_mem>>) src(%dma_wait3A_35 : memref<2048x512xf32, #tpu.memory_space<hbm>>) dst(%arg7 : memref<32x512xf32, #tpu.memory_space<vmem>>)
    %add3A_36 = arith.constant 32 : i32
    %add3A_37 = arith.addi %add3A, %add3A_36 : i32
    %dma_start3A_38 = arith.constant 0 : i32
    %dma_start3A_39 = tpu.memref_slice %arg4[%add3A_37, %dma_start3A_38] : memref<6144x512xf32, #tpu.memory_space<hbm>> -> memref<32x512xf32, #tpu.memory_space<hbm>>
    %dma_start3A_40 = arith.constant 0 : i32
    %dma_start3A_41 = tpu.memref_slice %arg4[%add3A_37, %dma_start3A_40] : memref<6144x512xf32, #tpu.memory_space<hbm>> -> memref<32x512xf32, #tpu.memory_space<hbm>>
    tpu.enqueue_dma source(%arg7 : memref<32x512xf32, #tpu.memory_space<vmem>>) target(%dma_start3A_41 : memref<32x512xf32, #tpu.memory_space<hbm>>) target_semaphore(%arg11 : memref<!tpu.dma_semaphore, #tpu.memory_space<semaphore_mem>>)
    %dma_wait3A_42 = arith.constant 0 : i32
    %dma_wait3A_43 = tpu.memref_slice %arg4[%add3A_37, %dma_wait3A_42] : memref<6144x512xf32, #tpu.memory_space<hbm>> -> memref<32x512xf32, #tpu.memory_space<hbm>>
    %dma_wait3A_44 = arith.constant 0 : i32
    %dma_wait3A_45 = tpu.memref_slice %arg4[%add3A_37, %dma_wait3A_44] : memref<6144x512xf32, #tpu.memory_space<hbm>> -> memref<32x512xf32, #tpu.memory_space<hbm>>
    tpu.wait_dma2 semaphore(%arg11 : memref<!tpu.dma_semaphore, #tpu.memory_space<semaphore_mem>>) src(%arg7 : memref<32x512xf32, #tpu.memory_space<vmem>>) dst(%dma_wait3A_45 : memref<32x512xf32, #tpu.memory_space<hbm>>)
    %dma_start3A_46 = arith.constant 96 : i32
    %dma_start3A_47 = tpu.memref_slice %arg5[%dma_start3A_46] : memref<192xi32, #tpu.memory_space<vmem>> -> memref<32xi32, #tpu.memory_space<vmem>>
    %dma_start3A_48 = arith.constant 0 : i32
    %dma_start3A_49 = arith.constant 0 : i32
    %dma_start3A_50 = tpu.memref_slice %arg3[%dma_start3A_48, %dma_start3A_49] : memref<2048x512xf32, #tpu.memory_space<hbm>> -> memref<2048x512xf32, #tpu.memory_space<hbm>>
    tpu.enqueue_indirect_dma source(%dma_start3A_50 : memref<2048x512xf32, #tpu.memory_space<hbm>>) target(%arg7 : memref<32x512xf32, #tpu.memory_space<vmem>>) offsets(%dma_start3A_47 : memref<32xi32, #tpu.memory_space<vmem>>) semaphore(%arg9 : memref<!tpu.dma_semaphore, #tpu.memory_space<semaphore_mem>>)
    %dma_wait3A_51 = arith.constant 64 : i32
    %dma_wait3A_52 = tpu.memref_slice %arg5[%dma_wait3A_51] : memref<192xi32, #tpu.memory_space<vmem>> -> memref<32xi32, #tpu.memory_space<vmem>>
    %dma_wait3A_53 = arith.constant 0 : i32
    %dma_wait3A_54 = arith.constant 0 : i32
    %dma_wait3A_55 = tpu.memref_slice %arg3[%dma_wait3A_53, %dma_wait3A_54] : memref<2048x512xf32, #tpu.memory_space<hbm>> -> memref<2048x512xf32, #tpu.memory_space<hbm>>
    tpu.wait_indirect_dma semaphore(%arg8 : memref<!tpu.dma_semaphore, #tpu.memory_space<semaphore_mem>>) src(%dma_wait3A_55 : memref<2048x512xf32, #tpu.memory_space<hbm>>) dst(%arg6 : memref<32x512xf32, #tpu.memory_space<vmem>>)
    %add3A_56 = arith.constant 64 : i32
    %add3A_57 = arith.addi %add3A, %add3A_56 : i32
    %dma_start3A_58 = arith.constant 0 : i32
    %dma_start3A_59 = tpu.memref_slice %arg4[%add3A_57, %dma_start3A_58] : memref<6144x512xf32, #tpu.memory_space<hbm>> -> memref<32x512xf32, #tpu.memory_space<hbm>>
    %dma_start3A_60 = arith.constant 0 : i32
    %dma_start3A_61 = tpu.memref_slice %arg4[%add3A_57, %dma_start3A_60] : memref<6144x512xf32, #tpu.memory_space<hbm>> -> memref<32x512xf32, #tpu.memory_space<hbm>>
    tpu.enqueue_dma source(%arg6 : memref<32x512xf32, #tpu.memory_space<vmem>>) target(%dma_start3A_61 : memref<32x512xf32, #tpu.memory_space<hbm>>) target_semaphore(%arg10 : memref<!tpu.dma_semaphore, #tpu.memory_space<semaphore_mem>>)
    %dma_wait3A_62 = arith.constant 0 : i32
    %dma_wait3A_63 = tpu.memref_slice %arg4[%add3A_57, %dma_wait3A_62] : memref<6144x512xf32, #tpu.memory_space<hbm>> -> memref<32x512xf32, #tpu.memory_space<hbm>>
    %dma_wait3A_64 = arith.constant 0 : i32
    %dma_wait3A_65 = tpu.memref_slice %arg4[%add3A_57, %dma_wait3A_64] : memref<6144x512xf32, #tpu.memory_space<hbm>> -> memref<32x512xf32, #tpu.memory_space<hbm>>
    tpu.wait_dma2 semaphore(%arg10 : memref<!tpu.dma_semaphore, #tpu.memory_space<semaphore_mem>>) src(%arg6 : memref<32x512xf32, #tpu.memory_space<vmem>>) dst(%dma_wait3A_65 : memref<32x512xf32, #tpu.memory_space<hbm>>)
    %dma_start3A_66 = arith.constant 128 : i32
    %dma_start3A_67 = tpu.memref_slice %arg5[%dma_start3A_66] : memref<192xi32, #tpu.memory_space<vmem>> -> memref<32xi32, #tpu.memory_space<vmem>>
    %dma_start3A_68 = arith.constant 0 : i32
    %dma_start3A_69 = arith.constant 0 : i32
    %dma_start3A_70 = tpu.memref_slice %arg3[%dma_start3A_68, %dma_start3A_69] : memref<2048x512xf32, #tpu.memory_space<hbm>> -> memref<2048x512xf32, #tpu.memory_space<hbm>>
    tpu.enqueue_indirect_dma source(%dma_start3A_70 : memref<2048x512xf32, #tpu.memory_space<hbm>>) target(%arg6 : memref<32x512xf32, #tpu.memory_space<vmem>>) offsets(%dma_start3A_67 : memref<32xi32, #tpu.memory_space<vmem>>) semaphore(%arg8 : memref<!tpu.dma_semaphore, #tpu.memory_space<semaphore_mem>>)
    %dma_wait3A_71 = arith.constant 96 : i32
    %dma_wait3A_72 = tpu.memref_slice %arg5[%dma_wait3A_71] : memref<192xi32, #tpu.memory_space<vmem>> -> memref<32xi32, #tpu.memory_space<vmem>>
    %dma_wait3A_73 = arith.constant 0 : i32
    %dma_wait3A_74 = arith.constant 0 : i32
    %dma_wait3A_75 = tpu.memref_slice %arg3[%dma_wait3A_73, %dma_wait3A_74] : memref<2048x512xf32, #tpu.memory_space<hbm>> -> memref<2048x512xf32, #tpu.memory_space<hbm>>
    tpu.wait_indirect_dma semaphore(%arg9 : memref<!tpu.dma_semaphore, #tpu.memory_space<semaphore_mem>>) src(%dma_wait3A_75 : memref<2048x512xf32, #tpu.memory_space<hbm>>) dst(%arg7 : memref<32x512xf32, #tpu.memory_space<vmem>>)
    %add3A_76 = arith.constant 96 : i32
    %add3A_77 = arith.addi %add3A, %add3A_76 : i32
    %dma_start3A_78 = arith.constant 0 : i32
    %dma_start3A_79 = tpu.memref_slice %arg4[%add3A_77, %dma_start3A_78] : memref<6144x512xf32, #tpu.memory_space<hbm>> -> memref<32x512xf32, #tpu.memory_space<hbm>>
    %dma_start3A_80 = arith.constant 0 : i32
    %dma_start3A_81 = tpu.memref_slice %arg4[%add3A_77, %dma_start3A_80] : memref<6144x512xf32, #tpu.memory_space<hbm>> -> memref<32x512xf32, #tpu.memory_space<hbm>>
    tpu.enqueue_dma source(%arg7 : memref<32x512xf32, #tpu.memory_space<vmem>>) target(%dma_start3A_81 : memref<32x512xf32, #tpu.memory_space<hbm>>) target_semaphore(%arg11 : memref<!tpu.dma_semaphore, #tpu.memory_space<semaphore_mem>>)
    %dma_wait3A_82 = arith.constant 0 : i32
    %dma_wait3A_83 = tpu.memref_slice %arg4[%add3A_77, %dma_wait3A_82] : memref<6144x512xf32, #tpu.memory_space<hbm>> -> memref<32x512xf32, #tpu.memory_space<hbm>>
    %dma_wait3A_84 = arith.constant 0 : i32
    %dma_wait3A_85 = tpu.memref_slice %arg4[%add3A_77, %dma_wait3A_84] : memref<6144x512xf32, #tpu.memory_space<hbm>> -> memref<32x512xf32, #tpu.memory_space<hbm>>
    tpu.wait_dma2 semaphore(%arg11 : memref<!tpu.dma_semaphore, #tpu.memory_space<semaphore_mem>>) src(%arg7 : memref<32x512xf32, #tpu.memory_space<vmem>>) dst(%dma_wait3A_85 : memref<32x512xf32, #tpu.memory_space<hbm>>)
    %dma_start3A_86 = arith.constant 160 : i32
    %dma_start3A_87 = tpu.memref_slice %arg5[%dma_start3A_86] : memref<192xi32, #tpu.memory_space<vmem>> -> memref<32xi32, #tpu.memory_space<vmem>>
    %dma_start3A_88 = arith.constant 0 : i32
    %dma_start3A_89 = arith.constant 0 : i32
    %dma_start3A_90 = tpu.memref_slice %arg3[%dma_start3A_88, %dma_start3A_89] : memref<2048x512xf32, #tpu.memory_space<hbm>> -> memref<2048x512xf32, #tpu.memory_space<hbm>>
    tpu.enqueue_indirect_dma source(%dma_start3A_90 : memref<2048x512xf32, #tpu.memory_space<hbm>>) target(%arg7 : memref<32x512xf32, #tpu.memory_space<vmem>>) offsets(%dma_start3A_87 : memref<32xi32, #tpu.memory_space<vmem>>) semaphore(%arg9 : memref<!tpu.dma_semaphore, #tpu.memory_space<semaphore_mem>>)
    %dma_wait3A_91 = arith.constant 128 : i32
    %dma_wait3A_92 = tpu.memref_slice %arg5[%dma_wait3A_91] : memref<192xi32, #tpu.memory_space<vmem>> -> memref<32xi32, #tpu.memory_space<vmem>>
    %dma_wait3A_93 = arith.constant 0 : i32
    %dma_wait3A_94 = arith.constant 0 : i32
    %dma_wait3A_95 = tpu.memref_slice %arg3[%dma_wait3A_93, %dma_wait3A_94] : memref<2048x512xf32, #tpu.memory_space<hbm>> -> memref<2048x512xf32, #tpu.memory_space<hbm>>
    tpu.wait_indirect_dma semaphore(%arg8 : memref<!tpu.dma_semaphore, #tpu.memory_space<semaphore_mem>>) src(%dma_wait3A_95 : memref<2048x512xf32, #tpu.memory_space<hbm>>) dst(%arg6 : memref<32x512xf32, #tpu.memory_space<vmem>>)
    %add3A_96 = arith.constant 128 : i32
    %add3A_97 = arith.addi %add3A, %add3A_96 : i32
    %dma_start3A_98 = arith.constant 0 : i32
    %dma_start3A_99 = tpu.memref_slice %arg4[%add3A_97, %dma_start3A_98] : memref<6144x512xf32, #tpu.memory_space<hbm>> -> memref<32x512xf32, #tpu.memory_space<hbm>>
    %dma_start3A_100 = arith.constant 0 : i32
    %dma_start3A_101 = tpu.memref_slice %arg4[%add3A_97, %dma_start3A_100] : memref<6144x512xf32, #tpu.memory_space<hbm>> -> memref<32x512xf32, #tpu.memory_space<hbm>>
    tpu.enqueue_dma source(%arg6 : memref<32x512xf32, #tpu.memory_space<vmem>>) target(%dma_start3A_101 : memref<32x512xf32, #tpu.memory_space<hbm>>) target_semaphore(%arg10 : memref<!tpu.dma_semaphore, #tpu.memory_space<semaphore_mem>>)
    %dma_wait3A_102 = arith.constant 160 : i32
    %dma_wait3A_103 = tpu.memref_slice %arg5[%dma_wait3A_102] : memref<192xi32, #tpu.memory_space<vmem>> -> memref<32xi32, #tpu.memory_space<vmem>>
    %dma_wait3A_104 = arith.constant 0 : i32
    %dma_wait3A_105 = arith.constant 0 : i32
    %dma_wait3A_106 = tpu.memref_slice %arg3[%dma_wait3A_104, %dma_wait3A_105] : memref<2048x512xf32, #tpu.memory_space<hbm>> -> memref<2048x512xf32, #tpu.memory_space<hbm>>
    tpu.wait_indirect_dma semaphore(%arg9 : memref<!tpu.dma_semaphore, #tpu.memory_space<semaphore_mem>>) src(%dma_wait3A_106 : memref<2048x512xf32, #tpu.memory_space<hbm>>) dst(%arg7 : memref<32x512xf32, #tpu.memory_space<vmem>>)
    %add3A_107 = arith.constant 160 : i32
    %add3A_108 = arith.addi %add3A, %add3A_107 : i32
    %dma_start3A_109 = arith.constant 0 : i32
    %dma_start3A_110 = tpu.memref_slice %arg4[%add3A_108, %dma_start3A_109] : memref<6144x512xf32, #tpu.memory_space<hbm>> -> memref<32x512xf32, #tpu.memory_space<hbm>>
    %dma_start3A_111 = arith.constant 0 : i32
    %dma_start3A_112 = tpu.memref_slice %arg4[%add3A_108, %dma_start3A_111] : memref<6144x512xf32, #tpu.memory_space<hbm>> -> memref<32x512xf32, #tpu.memory_space<hbm>>
    tpu.enqueue_dma source(%arg7 : memref<32x512xf32, #tpu.memory_space<vmem>>) target(%dma_start3A_112 : memref<32x512xf32, #tpu.memory_space<hbm>>) target_semaphore(%arg11 : memref<!tpu.dma_semaphore, #tpu.memory_space<semaphore_mem>>)
    %dma_wait3A_113 = arith.constant 0 : i32
    %dma_wait3A_114 = tpu.memref_slice %arg4[%add3A_97, %dma_wait3A_113] : memref<6144x512xf32, #tpu.memory_space<hbm>> -> memref<32x512xf32, #tpu.memory_space<hbm>>
    %dma_wait3A_115 = arith.constant 0 : i32
    %dma_wait3A_116 = tpu.memref_slice %arg4[%add3A_97, %dma_wait3A_115] : memref<6144x512xf32, #tpu.memory_space<hbm>> -> memref<32x512xf32, #tpu.memory_space<hbm>>
    tpu.wait_dma2 semaphore(%arg10 : memref<!tpu.dma_semaphore, #tpu.memory_space<semaphore_mem>>) src(%arg6 : memref<32x512xf32, #tpu.memory_space<vmem>>) dst(%dma_wait3A_116 : memref<32x512xf32, #tpu.memory_space<hbm>>)
    %dma_wait3A_117 = arith.constant 0 : i32
    %dma_wait3A_118 = tpu.memref_slice %arg4[%add3A_108, %dma_wait3A_117] : memref<6144x512xf32, #tpu.memory_space<hbm>> -> memref<32x512xf32, #tpu.memory_space<hbm>>
    %dma_wait3A_119 = arith.constant 0 : i32
    %dma_wait3A_120 = tpu.memref_slice %arg4[%add3A_108, %dma_wait3A_119] : memref<6144x512xf32, #tpu.memory_space<hbm>> -> memref<32x512xf32, #tpu.memory_space<hbm>>
    tpu.wait_dma2 semaphore(%arg11 : memref<!tpu.dma_semaphore, #tpu.memory_space<semaphore_mem>>) src(%arg7 : memref<32x512xf32, #tpu.memory_space<vmem>>) dst(%dma_wait3A_120 : memref<32x512xf32, #tpu.memory_space<hbm>>)
    return
  }
}

module attributes {stable_mosaic.version = 14 : i64} {
  func.func @_grouped_body(%arg0: i32, %arg1: memref<24xi32, #tpu.memory_space<smem>>, %arg2: memref<256x512xf32, #tpu.memory_space<vmem>>, %arg3: memref<1x512x1024xf32, #tpu.memory_space<vmem>>, %arg4: memref<1x512x1024xf32, #tpu.memory_space<vmem>>, %arg5: memref<1x1024x512xf32, #tpu.memory_space<vmem>>, %arg6: memref<256x512xf32, #tpu.memory_space<vmem>>) attributes {dimension_semantics = [#tpu.dimension_semantics<arbitrary>], iteration_bounds = array<i64: 24>, scalar_prefetch = 1 : i64, scratch_operands = 0 : i64, tpu.core_type = #tpu.core_type<tc>, window_params = [{transform_indices = @transform_0, window_bounds = array<i64: 256, 512>}, {transform_indices = @transform_1, window_bounds = array<i64: 1, 512, 1024>}, {transform_indices = @transform_2, window_bounds = array<i64: 1, 512, 1024>}, {transform_indices = @transform_3, window_bounds = array<i64: 1, 1024, 512>}, {transform_indices = @transform_4, window_bounds = array<i64: 256, 512>}]} {
    %get3A = arith.constant 0 : index
    %get3A_0 = arith.constant 0 : index
    %get3A_1 = vector.load %arg2[%get3A, %get3A_0] : memref<256x512xf32, #tpu.memory_space<vmem>>, vector<256x512xf32>
    %bitcast_convert_type3A = tpu.bitcast %get3A_1 : vector<256x512xf32> -> vector<256x512xi32>
    %shift_left3A = arith.constant 16 : i32
    %shift_left3A_2 = vector.broadcast %shift_left3A : i32 to vector<256x512xi32>
    %shift_left3A_3 = arith.shli %bitcast_convert_type3A, %shift_left3A_2 : vector<256x512xi32>
    %bitcast_convert_type3A_4 = tpu.bitcast %shift_left3A_3 : vector<256x512xi32> -> vector<256x512xf32>
    %and3A = arith.constant -65536 : i32
    %and3A_5 = vector.broadcast %and3A : i32 to vector<256x512xi32>
    %and3A_6 = arith.andi %bitcast_convert_type3A, %and3A_5 : vector<256x512xi32>
    %bitcast_convert_type3A_7 = tpu.bitcast %and3A_6 : vector<256x512xi32> -> vector<256x512xf32>
    %concatenate3A = tpu.concatenate %bitcast_convert_type3A_4, %bitcast_convert_type3A_7 in 1 : vector<256x512xf32>, vector<256x512xf32> -> vector<256x1024xf32>
    %convert_element_type3A = arith.truncf %concatenate3A : vector<256x1024xf32> to vector<256x1024xbf16>
    %get3A_8 = arith.constant 0 : index
    %get3A_9 = arith.constant 0 : index
    %get3A_10 = arith.constant 0 : index
    %get3A_11 = vector.load %arg3[%get3A_8, %get3A_9, %get3A_10] : memref<1x512x1024xf32, #tpu.memory_space<vmem>>, vector<1x512x1024xf32>
    %get3A_12 = vector.shape_cast %get3A_11 : vector<1x512x1024xf32> to vector<512x1024xf32>
    %convert_element_type3A_13 = arith.truncf %get3A_12 : vector<512x1024xf32> to vector<512x1024xbf16>
    %dot_general3A = arith.constant dense<0.000000e+00> : vector<256x512xf32>
    %dot_general3A_14 = tpu.matmul %convert_element_type3A, %convert_element_type3A_13, %dot_general3A {dimension_numbers = #tpu.dot_dimension_numbers<[1], [1], [0], [0], [0, 0, 1, 0], [], []>, transpose_lhs_hint = false} : vector<256x1024xbf16>, vector<512x1024xbf16>, vector<256x512xf32> -> vector<256x512xf32>
    %logistic3A = arith.negf %dot_general3A_14 : vector<256x512xf32>
    %logistic3A_15 = math.exp %logistic3A : vector<256x512xf32>
    %logistic3A_16 = arith.constant 1.000000e+00 : f32
    %logistic3A_17 = vector.broadcast %logistic3A_16 : f32 to vector<256x512xf32>
    %logistic3A_18 = arith.addf %logistic3A_17, %logistic3A_15 : vector<256x512xf32>
    %logistic3A_19 = arith.divf %logistic3A_17, %logistic3A_18 : vector<256x512xf32>
    %mul3A = arith.mulf %dot_general3A_14, %logistic3A_19 : vector<256x512xf32>
    %get3A_20 = arith.constant 0 : index
    %get3A_21 = arith.constant 0 : index
    %get3A_22 = arith.constant 0 : index
    %get3A_23 = vector.load %arg4[%get3A_20, %get3A_21, %get3A_22] : memref<1x512x1024xf32, #tpu.memory_space<vmem>>, vector<1x512x1024xf32>
    %get3A_24 = vector.shape_cast %get3A_23 : vector<1x512x1024xf32> to vector<512x1024xf32>
    %convert_element_type3A_25 = arith.truncf %get3A_24 : vector<512x1024xf32> to vector<512x1024xbf16>
    %dot_general3A_26 = arith.constant dense<0.000000e+00> : vector<256x512xf32>
    %dot_general3A_27 = tpu.matmul %convert_element_type3A, %convert_element_type3A_25, %dot_general3A_26 {dimension_numbers = #tpu.dot_dimension_numbers<[1], [1], [0], [0], [0, 0, 1, 0], [], []>, transpose_lhs_hint = false} : vector<256x1024xbf16>, vector<512x1024xbf16>, vector<256x512xf32> -> vector<256x512xf32>
    %mul3A_28 = arith.mulf %mul3A, %dot_general3A_27 : vector<256x512xf32>
    %convert_element_type3A_29 = arith.truncf %mul3A_28 : vector<256x512xf32> to vector<256x512xbf16>
    %get3A_30 = arith.constant 0 : index
    %get3A_31 = arith.constant 0 : index
    %get3A_32 = arith.constant 0 : index
    %get3A_33 = vector.load %arg5[%get3A_30, %get3A_31, %get3A_32] : memref<1x1024x512xf32, #tpu.memory_space<vmem>>, vector<1x1024x512xf32>
    %get3A_34 = vector.shape_cast %get3A_33 : vector<1x1024x512xf32> to vector<1024x512xf32>
    %convert_element_type3A_35 = arith.truncf %get3A_34 : vector<1024x512xf32> to vector<1024x512xbf16>
    %dot_general3A_36 = arith.constant dense<0.000000e+00> : vector<256x1024xf32>
    %dot_general3A_37 = tpu.matmul %convert_element_type3A_29, %convert_element_type3A_35, %dot_general3A_36 {dimension_numbers = #tpu.dot_dimension_numbers<[1], [1], [0], [0], [0, 0, 1, 0], [], []>, transpose_lhs_hint = false} : vector<256x512xbf16>, vector<1024x512xbf16>, vector<256x1024xf32> -> vector<256x1024xf32>
    %bitcast_convert_type3A_38 = tpu.bitcast %dot_general3A_37 : vector<256x1024xf32> -> vector<256x1024xi32>
    %add3A = arith.constant 32767 : i32
    %add3A_39 = vector.broadcast %add3A : i32 to vector<256x1024xi32>
    %add3A_40 = arith.addi %bitcast_convert_type3A_38, %add3A_39 : vector<256x1024xi32>
    %shift_right_logical3A = arith.constant 16 : i32
    %shift_right_logical3A_41 = vector.broadcast %shift_right_logical3A : i32 to vector<256x1024xi32>
    %shift_right_logical3A_42 = arith.shrui %bitcast_convert_type3A_38, %shift_right_logical3A_41 : vector<256x1024xi32>
    %and3A_43 = arith.constant 1 : i32
    %and3A_44 = vector.broadcast %and3A_43 : i32 to vector<256x1024xi32>
    %and3A_45 = arith.andi %shift_right_logical3A_42, %and3A_44 : vector<256x1024xi32>
    %add3A_46 = arith.addi %add3A_40, %and3A_45 : vector<256x1024xi32>
    %shift_right_logical3A_47 = arith.constant 16 : i32
    %shift_right_logical3A_48 = vector.broadcast %shift_right_logical3A_47 : i32 to vector<256x1024xi32>
    %shift_right_logical3A_49 = arith.shrui %add3A_46, %shift_right_logical3A_48 : vector<256x1024xi32>
    %slice3A = vector.extract_strided_slice %shift_right_logical3A_49 {offsets = [0, 0], sizes = [256, 512], strides = [1, 1]} : vector<256x1024xi32> to vector<256x512xi32>
    %slice3A_50 = vector.extract_strided_slice %shift_right_logical3A_49 {offsets = [0, 512], sizes = [256, 512], strides = [1, 1]} : vector<256x1024xi32> to vector<256x512xi32>
    %shift_left3A_51 = arith.constant 16 : i32
    %shift_left3A_52 = vector.broadcast %shift_left3A_51 : i32 to vector<256x512xi32>
    %shift_left3A_53 = arith.shli %slice3A_50, %shift_left3A_52 : vector<256x512xi32>
    %or3A = arith.ori %slice3A, %shift_left3A_53 : vector<256x512xi32>
    %bitcast_convert_type3A_54 = tpu.bitcast %or3A : vector<256x512xi32> -> vector<256x512xf32>
    %swap3A = arith.constant 0 : index
    %swap3A_55 = arith.constant 0 : index
    %swap3A_56 = vector.load %arg6[%swap3A, %swap3A_55] : memref<256x512xf32, #tpu.memory_space<vmem>>, vector<256x512xf32>
    tpu.vector_store %arg6[%swap3A, %swap3A_55], %bitcast_convert_type3A_54 {strides = array<i32>} : memref<256x512xf32, #tpu.memory_space<vmem>>, vector<256x512xf32>,
    return
  }
  func.func @transform_0(%arg0: i32, %arg1: memref<24xi32, #tpu.memory_space<smem>>) -> (i32, i32) {
    %c0_i32 = arith.constant 0 : i32
    %c0_i32_0 = arith.constant 0 : i32
    return %arg0, %c0_i32 : i32, i32
  }
  func.func @transform_1(%arg0: i32, %arg1: memref<24xi32, #tpu.memory_space<smem>>) -> (i32, i32, i32) {
    %get3A = arith.index_cast %arg0 : i32 to index
    %get3A_0 = memref.load %arg1[%get3A] : memref<24xi32, #tpu.memory_space<smem>>
    %c0_i32 = arith.constant 0 : i32
    %c0_i32_1 = arith.constant 0 : i32
    %c0_i32_2 = arith.constant 0 : i32
    return %get3A_0, %c0_i32, %c0_i32_1 : i32, i32, i32
  }
  func.func @transform_2(%arg0: i32, %arg1: memref<24xi32, #tpu.memory_space<smem>>) -> (i32, i32, i32) {
    %get3A = arith.index_cast %arg0 : i32 to index
    %get3A_0 = memref.load %arg1[%get3A] : memref<24xi32, #tpu.memory_space<smem>>
    %c0_i32 = arith.constant 0 : i32
    %c0_i32_1 = arith.constant 0 : i32
    %c0_i32_2 = arith.constant 0 : i32
    return %get3A_0, %c0_i32, %c0_i32_1 : i32, i32, i32
  }
  func.func @transform_3(%arg0: i32, %arg1: memref<24xi32, #tpu.memory_space<smem>>) -> (i32, i32, i32) {
    %get3A = arith.index_cast %arg0 : i32 to index
    %get3A_0 = memref.load %arg1[%get3A] : memref<24xi32, #tpu.memory_space<smem>>
    %c0_i32 = arith.constant 0 : i32
    %c0_i32_1 = arith.constant 0 : i32
    %c0_i32_2 = arith.constant 0 : i32
    return %get3A_0, %c0_i32, %c0_i32_1 : i32, i32, i32
  }
  func.func @transform_4(%arg0: i32, %arg1: memref<24xi32, #tpu.memory_space<smem>>) -> (i32, i32) {
    %c0_i32 = arith.constant 0 : i32
    %c0_i32_0 = arith.constant 0 : i32
    return %arg0, %c0_i32 : i32, i32
  }
}

module attributes {stable_mosaic.version = 14 : i64} {
  func.func @_route_body(%arg0: memref<2048x1024xf32, #tpu.memory_space<vmem>>, %arg1: memref<8x1024xf32, #tpu.memory_space<vmem>>, %arg2: memref<1x8xf32, #tpu.memory_space<vmem>>, %arg3: memref<2048x1xi32, #tpu.memory_space<vmem>>, %arg4: memref<2048x1xi32, #tpu.memory_space<vmem>>, %arg5: memref<12x512xi32, #tpu.memory_space<vmem>>, %arg6: memref<2048x1xf32, #tpu.memory_space<vmem>>, %arg7: memref<2048x1xf32, #tpu.memory_space<vmem>>, %arg8: memref<1x24xi32, #tpu.memory_space<vmem>>, %arg9: memref<2048x512xf32, #tpu.memory_space<vmem>>) attributes {dimension_semantics = [], scalar_prefetch = 0 : i64, scratch_operands = 0 : i64, tpu.core_type = #tpu.core_type<tc>} {
    %get3A = arith.constant 0 : index
    %get3A_0 = arith.constant 0 : index
    %get3A_1 = vector.load %arg0[%get3A, %get3A_0] : memref<2048x1024xf32, #tpu.memory_space<vmem>>, vector<2048x1024xf32>
    %bitcast_convert_type3A = tpu.bitcast %get3A_1 : vector<2048x1024xf32> -> vector<2048x1024xi32>
    %add3A = arith.constant 32767 : i32
    %add3A_2 = vector.broadcast %add3A : i32 to vector<2048x1024xi32>
    %add3A_3 = arith.addi %bitcast_convert_type3A, %add3A_2 : vector<2048x1024xi32>
    %shift_right_logical3A = arith.constant 16 : i32
    %shift_right_logical3A_4 = vector.broadcast %shift_right_logical3A : i32 to vector<2048x1024xi32>
    %shift_right_logical3A_5 = arith.shrui %bitcast_convert_type3A, %shift_right_logical3A_4 : vector<2048x1024xi32>
    %and3A = arith.constant 1 : i32
    %and3A_6 = vector.broadcast %and3A : i32 to vector<2048x1024xi32>
    %and3A_7 = arith.andi %shift_right_logical3A_5, %and3A_6 : vector<2048x1024xi32>
    %add3A_8 = arith.addi %add3A_3, %and3A_7 : vector<2048x1024xi32>
    %shift_right_logical3A_9 = arith.constant 16 : i32
    %shift_right_logical3A_10 = vector.broadcast %shift_right_logical3A_9 : i32 to vector<2048x1024xi32>
    %shift_right_logical3A_11 = arith.shrui %add3A_8, %shift_right_logical3A_10 : vector<2048x1024xi32>
    %slice3A = vector.extract_strided_slice %shift_right_logical3A_11 {offsets = [0, 0], sizes = [2048, 512], strides = [1, 1]} : vector<2048x1024xi32> to vector<2048x512xi32>
    %slice3A_12 = vector.extract_strided_slice %shift_right_logical3A_11 {offsets = [0, 512], sizes = [2048, 512], strides = [1, 1]} : vector<2048x1024xi32> to vector<2048x512xi32>
    %shift_left3A = arith.constant 16 : i32
    %shift_left3A_13 = vector.broadcast %shift_left3A : i32 to vector<2048x512xi32>
    %shift_left3A_14 = arith.shli %slice3A_12, %shift_left3A_13 : vector<2048x512xi32>
    %or3A = arith.ori %slice3A, %shift_left3A_14 : vector<2048x512xi32>
    %bitcast_convert_type3A_15 = tpu.bitcast %or3A : vector<2048x512xi32> -> vector<2048x512xf32>
    %swap3A = arith.constant 0 : index
    %swap3A_16 = arith.constant 0 : index
    %swap3A_17 = vector.load %arg9[%swap3A, %swap3A_16] : memref<2048x512xf32, #tpu.memory_space<vmem>>, vector<2048x512xf32>
    tpu.vector_store %arg9[%swap3A, %swap3A_16], %bitcast_convert_type3A_15 {strides = array<i32>} : memref<2048x512xf32, #tpu.memory_space<vmem>>, vector<2048x512xf32>,
    %get3A_18 = arith.constant 0 : index
    %get3A_19 = arith.constant 0 : index
    %get3A_20 = vector.load %arg1[%get3A_18, %get3A_19] : memref<8x1024xf32, #tpu.memory_space<vmem>>, vector<8x1024xf32>
    %dot_general3A = arith.constant dense<0.000000e+00> : vector<2048x8xf32>
    %dot_general3A_21 = tpu.matmul %get3A_1, %get3A_20, %dot_general3A {dimension_numbers = #tpu.dot_dimension_numbers<[1], [1], [0], [0], [0, 0, 1, 0], [], []>, transpose_lhs_hint = false} : vector<2048x1024xf32>, vector<8x1024xf32>, vector<2048x8xf32> -> vector<2048x8xf32>
    %logistic3A = arith.negf %dot_general3A_21 : vector<2048x8xf32>
    %logistic3A_22 = math.exp %logistic3A : vector<2048x8xf32>
    %logistic3A_23 = arith.constant 1.000000e+00 : f32
    %logistic3A_24 = vector.broadcast %logistic3A_23 : f32 to vector<2048x8xf32>
    %logistic3A_25 = arith.addf %logistic3A_24, %logistic3A_22 : vector<2048x8xf32>
    %logistic3A_26 = arith.divf %logistic3A_24, %logistic3A_25 : vector<2048x8xf32>
    %get3A_27 = arith.constant 0 : index
    %get3A_28 = arith.constant 0 : index
    %get3A_29 = vector.load %arg2[%get3A_27, %get3A_28] : memref<1x8xf32, #tpu.memory_space<vmem>>, vector<1x8xf32>
    %add3A_30 = vector.broadcast %get3A_29 : vector<1x8xf32> to vector<2048x8xf32>
    %add3A_31 = arith.addf %logistic3A_26, %add3A_30 : vector<2048x8xf32>
    %iota3A = tpu.iota {dimensions = array<i32: 1>} : vector<2048x8xi32>
    %reduce_max3A = arith.constant dense<0xFF800000> : vector<2048xf32>
    %reduce_max3A_32 = vector.multi_reduction <maximumf>, %add3A_31, %reduce_max3A [1] : vector<2048x8xf32> to vector<2048xf32>
    %broadcast_in_dim3A = vector.shape_cast %reduce_max3A_32 : vector<2048xf32> to vector<2048x1xf32>
    %eq3A = vector.broadcast %broadcast_in_dim3A : vector<2048x1xf32> to vector<2048x8xf32>
    %eq3A_33 = arith.cmpf oeq, %add3A_31, %eq3A : vector<2048x8xf32>
    %jit3A = arith.constant 8 : i32
    %broadcast_in_dim3A_34 = vector.broadcast %jit3A : i32 to vector<2048x8xi32>
    %select_n3A = arith.select %eq3A_33, %iota3A, %broadcast_in_dim3A_34 : vector<2048x8xi1>, vector<2048x8xi32>
    %reduce_min3A = arith.constant dense<2147483647> : vector<2048xi32>
    %reduce_min3A_35 = vector.multi_reduction <minsi>, %select_n3A, %reduce_min3A [1] : vector<2048x8xi32> to vector<2048xi32>
    %broadcast_in_dim3A_36 = vector.shape_cast %reduce_min3A_35 : vector<2048xi32> to vector<2048x1xi32>
    %eq3A_37 = vector.broadcast %broadcast_in_dim3A_36 : vector<2048x1xi32> to vector<2048x8xi32>
    %eq3A_38 = arith.cmpi eq, %iota3A, %eq3A_37 : vector<2048x8xi32>
    %jit3A_39 = arith.constant 0xFF800000 : f32
    %broadcast_in_dim3A_40 = vector.broadcast %jit3A_39 : f32 to vector<2048x8xf32>
    %select_n3A_41 = arith.select %eq3A_38, %broadcast_in_dim3A_40, %add3A_31 : vector<2048x8xi1>, vector<2048x8xf32>
    %reduce_max3A_42 = arith.constant dense<0xFF800000> : vector<2048xf32>
    %reduce_max3A_43 = vector.multi_reduction <maximumf>, %select_n3A_41, %reduce_max3A_42 [1] : vector<2048x8xf32> to vector<2048xf32>
    %broadcast_in_dim3A_44 = vector.shape_cast %reduce_max3A_43 : vector<2048xf32> to vector<2048x1xf32>
    %eq3A_45 = vector.broadcast %broadcast_in_dim3A_44 : vector<2048x1xf32> to vector<2048x8xf32>
    %eq3A_46 = arith.cmpf oeq, %select_n3A_41, %eq3A_45 : vector<2048x8xf32>
    %jit3A_47 = arith.constant 8 : i32
    %broadcast_in_dim3A_48 = vector.broadcast %jit3A_47 : i32 to vector<2048x8xi32>
    %select_n3A_49 = arith.select %eq3A_46, %iota3A, %broadcast_in_dim3A_48 : vector<2048x8xi1>, vector<2048x8xi32>
    %reduce_min3A_50 = arith.constant dense<2147483647> : vector<2048xi32>
    %reduce_min3A_51 = vector.multi_reduction <minsi>, %select_n3A_49, %reduce_min3A_50 [1] : vector<2048x8xi32> to vector<2048xi32>
    %broadcast_in_dim3A_52 = vector.shape_cast %reduce_min3A_51 : vector<2048xi32> to vector<2048x1xi32>
    %eq3A_53 = vector.broadcast %broadcast_in_dim3A_36 : vector<2048x1xi32> to vector<2048x8xi32>
    %eq3A_54 = arith.cmpi eq, %iota3A, %eq3A_53 : vector<2048x8xi32>
    %jit3A_55 = arith.constant 0.000000e+00 : f32
    %broadcast_in_dim3A_56 = vector.broadcast %jit3A_55 : f32 to vector<2048x8xf32>
    %select_n3A_57 = arith.select %eq3A_54, %logistic3A_26, %broadcast_in_dim3A_56 : vector<2048x8xi1>, vector<2048x8xf32>
    %reduce_sum3A = arith.constant dense<0.000000e+00> : vector<2048xf32>
    %reduce_sum3A_58 = vector.multi_reduction <add>, %select_n3A_57, %reduce_sum3A [1] : vector<2048x8xf32> to vector<2048xf32>
    %broadcast_in_dim3A_59 = vector.shape_cast %reduce_sum3A_58 : vector<2048xf32> to vector<2048x1xf32>
    %swap3A_60 = arith.constant 0 : index
    %swap3A_61 = arith.constant 0 : index
    %swap3A_62 = vector.load %arg6[%swap3A_60, %swap3A_61] : memref<2048x1xf32, #tpu.memory_space<vmem>>, vector<2048x1xf32>
    tpu.vector_store %arg6[%swap3A_60, %swap3A_61], %broadcast_in_dim3A_59 {strides = array<i32>} : memref<2048x1xf32, #tpu.memory_space<vmem>>, vector<2048x1xf32>,
    %eq3A_63 = vector.broadcast %broadcast_in_dim3A_52 : vector<2048x1xi32> to vector<2048x8xi32>
    %eq3A_64 = arith.cmpi eq, %iota3A, %eq3A_63 : vector<2048x8xi32>
    %jit3A_65 = arith.constant 0.000000e+00 : f32
    %broadcast_in_dim3A_66 = vector.broadcast %jit3A_65 : f32 to vector<2048x8xf32>
    %select_n3A_67 = arith.select %eq3A_64, %logistic3A_26, %broadcast_in_dim3A_66 : vector<2048x8xi1>, vector<2048x8xf32>
    %reduce_sum3A_68 = arith.constant dense<0.000000e+00> : vector<2048xf32>
    %reduce_sum3A_69 = vector.multi_reduction <add>, %select_n3A_67, %reduce_sum3A_68 [1] : vector<2048x8xf32> to vector<2048xf32>
    %broadcast_in_dim3A_70 = vector.shape_cast %reduce_sum3A_69 : vector<2048xf32> to vector<2048x1xf32>
    %swap3A_71 = arith.constant 0 : index
    %swap3A_72 = arith.constant 0 : index
    %swap3A_73 = vector.load %arg7[%swap3A_71, %swap3A_72] : memref<2048x1xf32, #tpu.memory_space<vmem>>, vector<2048x1xf32>
    tpu.vector_store %arg7[%swap3A_71, %swap3A_72], %broadcast_in_dim3A_70 {strides = array<i32>} : memref<2048x1xf32, #tpu.memory_space<vmem>>, vector<2048x1xf32>,
    %eq3A_74 = vector.broadcast %broadcast_in_dim3A_36 : vector<2048x1xi32> to vector<2048x8xi32>
    %eq3A_75 = arith.cmpi eq, %iota3A, %eq3A_74 : vector<2048x8xi32>
    %convert_element_type3A = arith.extui %eq3A_75 : vector<2048x8xi1> to vector<2048x8xi32>
    %convert_element_type3A_76 = arith.sitofp %convert_element_type3A : vector<2048x8xi32> to vector<2048x8xf32>
    %eq3A_77 = vector.broadcast %broadcast_in_dim3A_52 : vector<2048x1xi32> to vector<2048x8xi32>
    %eq3A_78 = arith.cmpi eq, %iota3A, %eq3A_77 : vector<2048x8xi32>
    %convert_element_type3A_79 = arith.extui %eq3A_78 : vector<2048x8xi1> to vector<2048x8xi32>
    %convert_element_type3A_80 = arith.sitofp %convert_element_type3A_79 : vector<2048x8xi32> to vector<2048x8xf32>
    %add3A_81 = arith.addf %convert_element_type3A_76, %convert_element_type3A_80 : vector<2048x8xf32>
    %iota3A_82 = tpu.iota {dimensions = array<i32: 0>} : vector<2048x2048xi32>
    %iota3A_83 = tpu.iota {dimensions = array<i32: 1>} : vector<2048x2048xi32>
    %le3A = arith.cmpi sle, %iota3A_83, %iota3A_82 : vector<2048x2048xi32>
    %convert_element_type3A_84 = arith.extui %le3A : vector<2048x2048xi1> to vector<2048x2048xi32>
    %convert_element_type3A_85 = arith.sitofp %convert_element_type3A_84 : vector<2048x2048xi32> to vector<2048x2048xf32>
    %convert_element_type3A_86 = arith.truncf %convert_element_type3A_85 : vector<2048x2048xf32> to vector<2048x2048xbf16>
    %convert_element_type3A_87 = arith.truncf %add3A_81 : vector<2048x8xf32> to vector<2048x8xbf16>
    %dot_general3A_88 = arith.constant dense<0.000000e+00> : vector<2048x8xf32>
    %dot_general3A_89 = tpu.matmul %convert_element_type3A_86, %convert_element_type3A_87, %dot_general3A_88 {dimension_numbers = #tpu.dot_dimension_numbers<[1], [0], [0], [1], [0, 0, 1, 1], [], []>, transpose_lhs_hint = false} : vector<2048x2048xbf16>, vector<2048x8xbf16>, vector<2048x8xf32> -> vector<2048x8xf32>
    %sub3A = arith.subf %dot_general3A_89, %add3A_81 : vector<2048x8xf32>
    %slice3A_90 = vector.extract_strided_slice %dot_general3A_89 {offsets = [2047, 0], sizes = [1, 8], strides = [1, 1]} : vector<2048x8xf32> to vector<1x8xf32>
    %add3A_91 = arith.constant 2.550000e+02 : f32
    %add3A_92 = vector.broadcast %add3A_91 : f32 to vector<1x8xf32>
    %add3A_93 = arith.addf %slice3A_90, %add3A_92 : vector<1x8xf32>
    %mul3A = arith.constant 3.906250e-03 : f32
    %mul3A_94 = vector.broadcast %mul3A : f32 to vector<1x8xf32>
    %mul3A_95 = arith.mulf %add3A_93, %mul3A_94 : vector<1x8xf32>
    %floor3A = math.floor %mul3A_95 : vector<1x8xf32>
    %iota3A_96 = tpu.iota {dimensions = array<i32: 0>} : vector<8x8xi32>
    %iota3A_97 = tpu.iota {dimensions = array<i32: 1>} : vector<8x8xi32>
    %lt3A = arith.cmpi slt, %iota3A_96, %iota3A_97 : vector<8x8xi32>
    %convert_element_type3A_98 = arith.extui %lt3A : vector<8x8xi1> to vector<8x8xi32>
    %convert_element_type3A_99 = arith.sitofp %convert_element_type3A_98 : vector<8x8xi32> to vector<8x8xf32>
    %dot_general3A_100 = arith.constant dense<0.000000e+00> : vector<1x8xf32>
    %dot_general3A_101 = tpu.matmul %floor3A, %convert_element_type3A_99, %dot_general3A_100 {dimension_numbers = #tpu.dot_dimension_numbers<[1], [0], [0], [1], [0, 0, 1, 1], [], []>, transpose_lhs_hint = false} : vector<1x8xf32>, vector<8x8xf32>, vector<1x8xf32> -> vector<1x8xf32>
    %mul3A_102 = arith.constant 2.560000e+02 : f32
    %mul3A_103 = vector.broadcast %mul3A_102 : f32 to vector<1x8xf32>
    %mul3A_104 = arith.mulf %dot_general3A_101, %mul3A_103 : vector<1x8xf32>
    %eq3A_105 = vector.broadcast %broadcast_in_dim3A_36 : vector<2048x1xi32> to vector<2048x8xi32>
    %eq3A_106 = arith.cmpi eq, %iota3A, %eq3A_105 : vector<2048x8xi32>
    %add3A_107 = vector.broadcast %mul3A_104 : vector<1x8xf32> to vector<2048x8xf32>
    %add3A_108 = arith.addf %sub3A, %add3A_107 : vector<2048x8xf32>
    %jit3A_109 = arith.constant 0.000000e+00 : f32
    %broadcast_in_dim3A_110 = vector.broadcast %jit3A_109 : f32 to vector<2048x8xf32>
    %select_n3A_111 = arith.select %eq3A_106, %add3A_108, %broadcast_in_dim3A_110 : vector<2048x8xi1>, vector<2048x8xf32>
    %reduce_sum3A_112 = arith.constant dense<0.000000e+00> : vector<2048xf32>
    %reduce_sum3A_113 = vector.multi_reduction <add>, %select_n3A_111, %reduce_sum3A_112 [1] : vector<2048x8xf32> to vector<2048xf32>
    %broadcast_in_dim3A_114 = vector.shape_cast %reduce_sum3A_113 : vector<2048xf32> to vector<2048x1xf32>
    %eq3A_115 = vector.broadcast %broadcast_in_dim3A_52 : vector<2048x1xi32> to vector<2048x8xi32>
    %eq3A_116 = arith.cmpi eq, %iota3A, %eq3A_115 : vector<2048x8xi32>
    %add3A_117 = vector.broadcast %mul3A_104 : vector<1x8xf32> to vector<2048x8xf32>
    %add3A_118 = arith.addf %sub3A, %add3A_117 : vector<2048x8xf32>
    %jit3A_119 = arith.constant 0.000000e+00 : f32
    %broadcast_in_dim3A_120 = vector.broadcast %jit3A_119 : f32 to vector<2048x8xf32>
    %select_n3A_121 = arith.select %eq3A_116, %add3A_118, %broadcast_in_dim3A_120 : vector<2048x8xi1>, vector<2048x8xf32>
    %reduce_sum3A_122 = arith.constant dense<0.000000e+00> : vector<2048xf32>
    %reduce_sum3A_123 = vector.multi_reduction <add>, %select_n3A_121, %reduce_sum3A_122 [1] : vector<2048x8xf32> to vector<2048xf32>
    %broadcast_in_dim3A_124 = vector.shape_cast %reduce_sum3A_123 : vector<2048xf32> to vector<2048x1xf32>
    %convert_element_type3A_125 = arith.fptosi %broadcast_in_dim3A_114 : vector<2048x1xf32> to vector<2048x1xi32>
    %swap3A_126 = arith.constant 0 : index
    %swap3A_127 = arith.constant 0 : index
    %swap3A_128 = vector.load %arg3[%swap3A_126, %swap3A_127] : memref<2048x1xi32, #tpu.memory_space<vmem>>, vector<2048x1xi32>
    tpu.vector_store %arg3[%swap3A_126, %swap3A_127], %convert_element_type3A_125 {strides = array<i32>} : memref<2048x1xi32, #tpu.memory_space<vmem>>, vector<2048x1xi32>,
    %convert_element_type3A_129 = arith.fptosi %broadcast_in_dim3A_124 : vector<2048x1xf32> to vector<2048x1xi32>
    %swap3A_130 = arith.constant 0 : index
    %swap3A_131 = arith.constant 0 : index
    %swap3A_132 = vector.load %arg4[%swap3A_130, %swap3A_131] : memref<2048x1xi32, #tpu.memory_space<vmem>>, vector<2048x1xi32>
    tpu.vector_store %arg4[%swap3A_130, %swap3A_131], %convert_element_type3A_129 {strides = array<i32>} : memref<2048x1xi32, #tpu.memory_space<vmem>>, vector<2048x1xi32>,
    %iota3A_133 = tpu.iota {dimensions = array<i32: 0>} : vector<2048x512xi32>
    %convert_element_type3A_134 = arith.sitofp %iota3A_133 : vector<2048x512xi32> to vector<2048x512xf32>
    %iota3A_135 = tpu.iota {dimensions = array<i32: 1>} : vector<2048x512xi32>
    %convert_element_type3A_136 = arith.sitofp %iota3A_135 : vector<2048x512xi32> to vector<2048x512xf32>
    %add3A_137 = arith.constant 0.000000e+00 : f32
    %add3A_138 = vector.broadcast %add3A_137 : f32 to vector<2048x512xf32>
    %add3A_139 = arith.addf %convert_element_type3A_136, %add3A_138 : vector<2048x512xf32>
    %eq3A_140 = vector.broadcast %broadcast_in_dim3A_114 : vector<2048x1xf32> to vector<2048x512xf32>
    %eq3A_141 = arith.cmpf oeq, %eq3A_140, %add3A_139 : vector<2048x512xf32>
    %eq3A_142 = vector.broadcast %broadcast_in_dim3A_124 : vector<2048x1xf32> to vector<2048x512xf32>
    %eq3A_143 = arith.cmpf oeq, %eq3A_142, %add3A_139 : vector<2048x512xf32>
    %or3A_144 = arith.ori %eq3A_141, %eq3A_143 : vector<2048x512xi1>
    %slice3A_145 = vector.extract_strided_slice %add3A_139 {offsets = [0, 0], sizes = [1, 512], strides = [1, 1]} : vector<2048x512xf32> to vector<1x512xf32>
    %mul3A_146 = arith.constant 4.8828125E-4 : f32
    %mul3A_147 = vector.broadcast %mul3A_146 : f32 to vector<1x512xf32>
    %mul3A_148 = arith.mulf %slice3A_145, %mul3A_147 : vector<1x512xf32>
    %floor3A_149 = math.floor %mul3A_148 : vector<1x512xf32>
    %mul3A_150 = arith.constant 2.048000e+03 : f32
    %mul3A_151 = vector.broadcast %mul3A_150 : f32 to vector<1x512xf32>
    %mul3A_152 = arith.mulf %floor3A_149, %mul3A_151 : vector<1x512xf32>
    %sub3A_153 = arith.subf %slice3A_145, %mul3A_152 : vector<1x512xf32>
    %sub3A_154 = vector.broadcast %sub3A_153 : vector<1x512xf32> to vector<2048x512xf32>
    %sub3A_155 = arith.subf %convert_element_type3A_134, %sub3A_154 : vector<2048x512xf32>
    %jit3A_156 = arith.constant 0.000000e+00 : f32
    %broadcast_in_dim3A_157 = vector.broadcast %jit3A_156 : f32 to vector<2048x512xf32>
    %select_n3A_158 = arith.select %or3A_144, %sub3A_155, %broadcast_in_dim3A_157 : vector<2048x512xi1>, vector<2048x512xf32>
    %reduce_sum3A_159 = arith.constant dense<0.000000e+00> : vector<512xf32>
    %reduce_sum3A_160 = vector.multi_reduction <add>, %select_n3A_158, %reduce_sum3A_159 [0] : vector<2048x512xf32> to vector<512xf32>
    %broadcast_in_dim3A_161 = vector.shape_cast %reduce_sum3A_160 : vector<512xf32> to vector<1x512xf32>
    %add3A_162 = arith.addf %sub3A_153, %broadcast_in_dim3A_161 : vector<1x512xf32>
    %convert_element_type3A_163 = arith.fptosi %add3A_162 : vector<1x512xf32> to vector<1x512xi32>
    %swap3A_164 = arith.constant 0 : index
    %swap3A_165 = arith.constant 0 : index
    %swap3A_166 = vector.load %arg5[%swap3A_164, %swap3A_165] : memref<12x512xi32, #tpu.memory_space<vmem>>, vector<1x512xi32>
    tpu.vector_store %arg5[%swap3A_164, %swap3A_165], %convert_element_type3A_163 {strides = array<i32>} : memref<12x512xi32, #tpu.memory_space<vmem>>, vector<1x512xi32>,
    %add3A_167 = arith.constant 5.120000e+02 : f32
    %add3A_168 = vector.broadcast %add3A_167 : f32 to vector<2048x512xf32>
    %add3A_169 = arith.addf %convert_element_type3A_136, %add3A_168 : vector<2048x512xf32>
    %eq3A_170 = vector.broadcast %broadcast_in_dim3A_114 : vector<2048x1xf32> to vector<2048x512xf32>
    %eq3A_171 = arith.cmpf oeq, %eq3A_170, %add3A_169 : vector<2048x512xf32>
    %eq3A_172 = vector.broadcast %broadcast_in_dim3A_124 : vector<2048x1xf32> to vector<2048x512xf32>
    %eq3A_173 = arith.cmpf oeq, %eq3A_172, %add3A_169 : vector<2048x512xf32>
    %or3A_174 = arith.ori %eq3A_171, %eq3A_173 : vector<2048x512xi1>
    %slice3A_175 = vector.extract_strided_slice %add3A_169 {offsets = [0, 0], sizes = [1, 512], strides = [1, 1]} : vector<2048x512xf32> to vector<1x512xf32>
    %mul3A_176 = arith.constant 4.8828125E-4 : f32
    %mul3A_177 = vector.broadcast %mul3A_176 : f32 to vector<1x512xf32>
    %mul3A_178 = arith.mulf %slice3A_175, %mul3A_177 : vector<1x512xf32>
    %floor3A_179 = math.floor %mul3A_178 : vector<1x512xf32>
    %mul3A_180 = arith.constant 2.048000e+03 : f32
    %mul3A_181 = vector.broadcast %mul3A_180 : f32 to vector<1x512xf32>
    %mul3A_182 = arith.mulf %floor3A_179, %mul3A_181 : vector<1x512xf32>
    %sub3A_183 = arith.subf %slice3A_175, %mul3A_182 : vector<1x512xf32>
    %sub3A_184 = vector.broadcast %sub3A_183 : vector<1x512xf32> to vector<2048x512xf32>
    %sub3A_185 = arith.subf %convert_element_type3A_134, %sub3A_184 : vector<2048x512xf32>
    %jit3A_186 = arith.constant 0.000000e+00 : f32
    %broadcast_in_dim3A_187 = vector.broadcast %jit3A_186 : f32 to vector<2048x512xf32>
    %select_n3A_188 = arith.select %or3A_174, %sub3A_185, %broadcast_in_dim3A_187 : vector<2048x512xi1>, vector<2048x512xf32>
    %reduce_sum3A_189 = arith.constant dense<0.000000e+00> : vector<512xf32>
    %reduce_sum3A_190 = vector.multi_reduction <add>, %select_n3A_188, %reduce_sum3A_189 [0] : vector<2048x512xf32> to vector<512xf32>
    %broadcast_in_dim3A_191 = vector.shape_cast %reduce_sum3A_190 : vector<512xf32> to vector<1x512xf32>
    %add3A_192 = arith.addf %sub3A_183, %broadcast_in_dim3A_191 : vector<1x512xf32>
    %convert_element_type3A_193 = arith.fptosi %add3A_192 : vector<1x512xf32> to vector<1x512xi32>
    %swap3A_194 = arith.constant 1 : index
    %swap3A_195 = arith.constant 0 : index
    %swap3A_196 = vector.load %arg5[%swap3A_194, %swap3A_195] : memref<12x512xi32, #tpu.memory_space<vmem>>, vector<1x512xi32>
    tpu.vector_store %arg5[%swap3A_194, %swap3A_195], %convert_element_type3A_193 {strides = array<i32>} : memref<12x512xi32, #tpu.memory_space<vmem>>, vector<1x512xi32>,
    %add3A_197 = arith.constant 1.024000e+03 : f32
    %add3A_198 = vector.broadcast %add3A_197 : f32 to vector<2048x512xf32>
    %add3A_199 = arith.addf %convert_element_type3A_136, %add3A_198 : vector<2048x512xf32>
    %eq3A_200 = vector.broadcast %broadcast_in_dim3A_114 : vector<2048x1xf32> to vector<2048x512xf32>
    %eq3A_201 = arith.cmpf oeq, %eq3A_200, %add3A_199 : vector<2048x512xf32>
    %eq3A_202 = vector.broadcast %broadcast_in_dim3A_124 : vector<2048x1xf32> to vector<2048x512xf32>
    %eq3A_203 = arith.cmpf oeq, %eq3A_202, %add3A_199 : vector<2048x512xf32>
    %or3A_204 = arith.ori %eq3A_201, %eq3A_203 : vector<2048x512xi1>
    %slice3A_205 = vector.extract_strided_slice %add3A_199 {offsets = [0, 0], sizes = [1, 512], strides = [1, 1]} : vector<2048x512xf32> to vector<1x512xf32>
    %mul3A_206 = arith.constant 4.8828125E-4 : f32
    %mul3A_207 = vector.broadcast %mul3A_206 : f32 to vector<1x512xf32>
    %mul3A_208 = arith.mulf %slice3A_205, %mul3A_207 : vector<1x512xf32>
    %floor3A_209 = math.floor %mul3A_208 : vector<1x512xf32>
    %mul3A_210 = arith.constant 2.048000e+03 : f32
    %mul3A_211 = vector.broadcast %mul3A_210 : f32 to vector<1x512xf32>
    %mul3A_212 = arith.mulf %floor3A_209, %mul3A_211 : vector<1x512xf32>
    %sub3A_213 = arith.subf %slice3A_205, %mul3A_212 : vector<1x512xf32>
    %sub3A_214 = vector.broadcast %sub3A_213 : vector<1x512xf32> to vector<2048x512xf32>
    %sub3A_215 = arith.subf %convert_element_type3A_134, %sub3A_214 : vector<2048x512xf32>
    %jit3A_216 = arith.constant 0.000000e+00 : f32
    %broadcast_in_dim3A_217 = vector.broadcast %jit3A_216 : f32 to vector<2048x512xf32>
    %select_n3A_218 = arith.select %or3A_204, %sub3A_215, %broadcast_in_dim3A_217 : vector<2048x512xi1>, vector<2048x512xf32>
    %reduce_sum3A_219 = arith.constant dense<0.000000e+00> : vector<512xf32>
    %reduce_sum3A_220 = vector.multi_reduction <add>, %select_n3A_218, %reduce_sum3A_219 [0] : vector<2048x512xf32> to vector<512xf32>
    %broadcast_in_dim3A_221 = vector.shape_cast %reduce_sum3A_220 : vector<512xf32> to vector<1x512xf32>
    %add3A_222 = arith.addf %sub3A_213, %broadcast_in_dim3A_221 : vector<1x512xf32>
    %convert_element_type3A_223 = arith.fptosi %add3A_222 : vector<1x512xf32> to vector<1x512xi32>
    %swap3A_224 = arith.constant 2 : index
    %swap3A_225 = arith.constant 0 : index
    %swap3A_226 = vector.load %arg5[%swap3A_224, %swap3A_225] : memref<12x512xi32, #tpu.memory_space<vmem>>, vector<1x512xi32>
    tpu.vector_store %arg5[%swap3A_224, %swap3A_225], %convert_element_type3A_223 {strides = array<i32>} : memref<12x512xi32, #tpu.memory_space<vmem>>, vector<1x512xi32>,
    %add3A_227 = arith.constant 1.536000e+03 : f32
    %add3A_228 = vector.broadcast %add3A_227 : f32 to vector<2048x512xf32>
    %add3A_229 = arith.addf %convert_element_type3A_136, %add3A_228 : vector<2048x512xf32>
    %eq3A_230 = vector.broadcast %broadcast_in_dim3A_114 : vector<2048x1xf32> to vector<2048x512xf32>
    %eq3A_231 = arith.cmpf oeq, %eq3A_230, %add3A_229 : vector<2048x512xf32>
    %eq3A_232 = vector.broadcast %broadcast_in_dim3A_124 : vector<2048x1xf32> to vector<2048x512xf32>
    %eq3A_233 = arith.cmpf oeq, %eq3A_232, %add3A_229 : vector<2048x512xf32>
    %or3A_234 = arith.ori %eq3A_231, %eq3A_233 : vector<2048x512xi1>
    %slice3A_235 = vector.extract_strided_slice %add3A_229 {offsets = [0, 0], sizes = [1, 512], strides = [1, 1]} : vector<2048x512xf32> to vector<1x512xf32>
    %mul3A_236 = arith.constant 4.8828125E-4 : f32
    %mul3A_237 = vector.broadcast %mul3A_236 : f32 to vector<1x512xf32>
    %mul3A_238 = arith.mulf %slice3A_235, %mul3A_237 : vector<1x512xf32>
    %floor3A_239 = math.floor %mul3A_238 : vector<1x512xf32>
    %mul3A_240 = arith.constant 2.048000e+03 : f32
    %mul3A_241 = vector.broadcast %mul3A_240 : f32 to vector<1x512xf32>
    %mul3A_242 = arith.mulf %floor3A_239, %mul3A_241 : vector<1x512xf32>
    %sub3A_243 = arith.subf %slice3A_235, %mul3A_242 : vector<1x512xf32>
    %sub3A_244 = vector.broadcast %sub3A_243 : vector<1x512xf32> to vector<2048x512xf32>
    %sub3A_245 = arith.subf %convert_element_type3A_134, %sub3A_244 : vector<2048x512xf32>
    %jit3A_246 = arith.constant 0.000000e+00 : f32
    %broadcast_in_dim3A_247 = vector.broadcast %jit3A_246 : f32 to vector<2048x512xf32>
    %select_n3A_248 = arith.select %or3A_234, %sub3A_245, %broadcast_in_dim3A_247 : vector<2048x512xi1>, vector<2048x512xf32>
    %reduce_sum3A_249 = arith.constant dense<0.000000e+00> : vector<512xf32>
    %reduce_sum3A_250 = vector.multi_reduction <add>, %select_n3A_248, %reduce_sum3A_249 [0] : vector<2048x512xf32> to vector<512xf32>
    %broadcast_in_dim3A_251 = vector.shape_cast %reduce_sum3A_250 : vector<512xf32> to vector<1x512xf32>
    %add3A_252 = arith.addf %sub3A_243, %broadcast_in_dim3A_251 : vector<1x512xf32>
    %convert_element_type3A_253 = arith.fptosi %add3A_252 : vector<1x512xf32> to vector<1x512xi32>
    %swap3A_254 = arith.constant 3 : index
    %swap3A_255 = arith.constant 0 : index
    %swap3A_256 = vector.load %arg5[%swap3A_254, %swap3A_255] : memref<12x512xi32, #tpu.memory_space<vmem>>, vector<1x512xi32>
    tpu.vector_store %arg5[%swap3A_254, %swap3A_255], %convert_element_type3A_253 {strides = array<i32>} : memref<12x512xi32, #tpu.memory_space<vmem>>, vector<1x512xi32>,
    %add3A_257 = arith.constant 2.048000e+03 : f32
    %add3A_258 = vector.broadcast %add3A_257 : f32 to vector<2048x512xf32>
    %add3A_259 = arith.addf %convert_element_type3A_136, %add3A_258 : vector<2048x512xf32>
    %eq3A_260 = vector.broadcast %broadcast_in_dim3A_114 : vector<2048x1xf32> to vector<2048x512xf32>
    %eq3A_261 = arith.cmpf oeq, %eq3A_260, %add3A_259 : vector<2048x512xf32>
    %eq3A_262 = vector.broadcast %broadcast_in_dim3A_124 : vector<2048x1xf32> to vector<2048x512xf32>
    %eq3A_263 = arith.cmpf oeq, %eq3A_262, %add3A_259 : vector<2048x512xf32>
    %or3A_264 = arith.ori %eq3A_261, %eq3A_263 : vector<2048x512xi1>
    %slice3A_265 = vector.extract_strided_slice %add3A_259 {offsets = [0, 0], sizes = [1, 512], strides = [1, 1]} : vector<2048x512xf32> to vector<1x512xf32>
    %mul3A_266 = arith.constant 4.8828125E-4 : f32
    %mul3A_267 = vector.broadcast %mul3A_266 : f32 to vector<1x512xf32>
    %mul3A_268 = arith.mulf %slice3A_265, %mul3A_267 : vector<1x512xf32>
    %floor3A_269 = math.floor %mul3A_268 : vector<1x512xf32>
    %mul3A_270 = arith.constant 2.048000e+03 : f32
    %mul3A_271 = vector.broadcast %mul3A_270 : f32 to vector<1x512xf32>
    %mul3A_272 = arith.mulf %floor3A_269, %mul3A_271 : vector<1x512xf32>
    %sub3A_273 = arith.subf %slice3A_265, %mul3A_272 : vector<1x512xf32>
    %sub3A_274 = vector.broadcast %sub3A_273 : vector<1x512xf32> to vector<2048x512xf32>
    %sub3A_275 = arith.subf %convert_element_type3A_134, %sub3A_274 : vector<2048x512xf32>
    %jit3A_276 = arith.constant 0.000000e+00 : f32
    %broadcast_in_dim3A_277 = vector.broadcast %jit3A_276 : f32 to vector<2048x512xf32>
    %select_n3A_278 = arith.select %or3A_264, %sub3A_275, %broadcast_in_dim3A_277 : vector<2048x512xi1>, vector<2048x512xf32>
    %reduce_sum3A_279 = arith.constant dense<0.000000e+00> : vector<512xf32>
    %reduce_sum3A_280 = vector.multi_reduction <add>, %select_n3A_278, %reduce_sum3A_279 [0] : vector<2048x512xf32> to vector<512xf32>
    %broadcast_in_dim3A_281 = vector.shape_cast %reduce_sum3A_280 : vector<512xf32> to vector<1x512xf32>
    %add3A_282 = arith.addf %sub3A_273, %broadcast_in_dim3A_281 : vector<1x512xf32>
    %convert_element_type3A_283 = arith.fptosi %add3A_282 : vector<1x512xf32> to vector<1x512xi32>
    %swap3A_284 = arith.constant 4 : index
    %swap3A_285 = arith.constant 0 : index
    %swap3A_286 = vector.load %arg5[%swap3A_284, %swap3A_285] : memref<12x512xi32, #tpu.memory_space<vmem>>, vector<1x512xi32>
    tpu.vector_store %arg5[%swap3A_284, %swap3A_285], %convert_element_type3A_283 {strides = array<i32>} : memref<12x512xi32, #tpu.memory_space<vmem>>, vector<1x512xi32>,
    %add3A_287 = arith.constant 2.560000e+03 : f32
    %add3A_288 = vector.broadcast %add3A_287 : f32 to vector<2048x512xf32>
    %add3A_289 = arith.addf %convert_element_type3A_136, %add3A_288 : vector<2048x512xf32>
    %eq3A_290 = vector.broadcast %broadcast_in_dim3A_114 : vector<2048x1xf32> to vector<2048x512xf32>
    %eq3A_291 = arith.cmpf oeq, %eq3A_290, %add3A_289 : vector<2048x512xf32>
    %eq3A_292 = vector.broadcast %broadcast_in_dim3A_124 : vector<2048x1xf32> to vector<2048x512xf32>
    %eq3A_293 = arith.cmpf oeq, %eq3A_292, %add3A_289 : vector<2048x512xf32>
    %or3A_294 = arith.ori %eq3A_291, %eq3A_293 : vector<2048x512xi1>
    %slice3A_295 = vector.extract_strided_slice %add3A_289 {offsets = [0, 0], sizes = [1, 512], strides = [1, 1]} : vector<2048x512xf32> to vector<1x512xf32>
    %mul3A_296 = arith.constant 4.8828125E-4 : f32
    %mul3A_297 = vector.broadcast %mul3A_296 : f32 to vector<1x512xf32>
    %mul3A_298 = arith.mulf %slice3A_295, %mul3A_297 : vector<1x512xf32>
    %floor3A_299 = math.floor %mul3A_298 : vector<1x512xf32>
    %mul3A_300 = arith.constant 2.048000e+03 : f32
    %mul3A_301 = vector.broadcast %mul3A_300 : f32 to vector<1x512xf32>
    %mul3A_302 = arith.mulf %floor3A_299, %mul3A_301 : vector<1x512xf32>
    %sub3A_303 = arith.subf %slice3A_295, %mul3A_302 : vector<1x512xf32>
    %sub3A_304 = vector.broadcast %sub3A_303 : vector<1x512xf32> to vector<2048x512xf32>
    %sub3A_305 = arith.subf %convert_element_type3A_134, %sub3A_304 : vector<2048x512xf32>
    %jit3A_306 = arith.constant 0.000000e+00 : f32
    %broadcast_in_dim3A_307 = vector.broadcast %jit3A_306 : f32 to vector<2048x512xf32>
    %select_n3A_308 = arith.select %or3A_294, %sub3A_305, %broadcast_in_dim3A_307 : vector<2048x512xi1>, vector<2048x512xf32>
    %reduce_sum3A_309 = arith.constant dense<0.000000e+00> : vector<512xf32>
    %reduce_sum3A_310 = vector.multi_reduction <add>, %select_n3A_308, %reduce_sum3A_309 [0] : vector<2048x512xf32> to vector<512xf32>
    %broadcast_in_dim3A_311 = vector.shape_cast %reduce_sum3A_310 : vector<512xf32> to vector<1x512xf32>
    %add3A_312 = arith.addf %sub3A_303, %broadcast_in_dim3A_311 : vector<1x512xf32>
    %convert_element_type3A_313 = arith.fptosi %add3A_312 : vector<1x512xf32> to vector<1x512xi32>
    %swap3A_314 = arith.constant 5 : index
    %swap3A_315 = arith.constant 0 : index
    %swap3A_316 = vector.load %arg5[%swap3A_314, %swap3A_315] : memref<12x512xi32, #tpu.memory_space<vmem>>, vector<1x512xi32>
    tpu.vector_store %arg5[%swap3A_314, %swap3A_315], %convert_element_type3A_313 {strides = array<i32>} : memref<12x512xi32, #tpu.memory_space<vmem>>, vector<1x512xi32>,
    %add3A_317 = arith.constant 3.072000e+03 : f32
    %add3A_318 = vector.broadcast %add3A_317 : f32 to vector<2048x512xf32>
    %add3A_319 = arith.addf %convert_element_type3A_136, %add3A_318 : vector<2048x512xf32>
    %eq3A_320 = vector.broadcast %broadcast_in_dim3A_114 : vector<2048x1xf32> to vector<2048x512xf32>
    %eq3A_321 = arith.cmpf oeq, %eq3A_320, %add3A_319 : vector<2048x512xf32>
    %eq3A_322 = vector.broadcast %broadcast_in_dim3A_124 : vector<2048x1xf32> to vector<2048x512xf32>
    %eq3A_323 = arith.cmpf oeq, %eq3A_322, %add3A_319 : vector<2048x512xf32>
    %or3A_324 = arith.ori %eq3A_321, %eq3A_323 : vector<2048x512xi1>
    %slice3A_325 = vector.extract_strided_slice %add3A_319 {offsets = [0, 0], sizes = [1, 512], strides = [1, 1]} : vector<2048x512xf32> to vector<1x512xf32>
    %mul3A_326 = arith.constant 4.8828125E-4 : f32
    %mul3A_327 = vector.broadcast %mul3A_326 : f32 to vector<1x512xf32>
    %mul3A_328 = arith.mulf %slice3A_325, %mul3A_327 : vector<1x512xf32>
    %floor3A_329 = math.floor %mul3A_328 : vector<1x512xf32>
    %mul3A_330 = arith.constant 2.048000e+03 : f32
    %mul3A_331 = vector.broadcast %mul3A_330 : f32 to vector<1x512xf32>
    %mul3A_332 = arith.mulf %floor3A_329, %mul3A_331 : vector<1x512xf32>
    %sub3A_333 = arith.subf %slice3A_325, %mul3A_332 : vector<1x512xf32>
    %sub3A_334 = vector.broadcast %sub3A_333 : vector<1x512xf32> to vector<2048x512xf32>
    %sub3A_335 = arith.subf %convert_element_type3A_134, %sub3A_334 : vector<2048x512xf32>
    %jit3A_336 = arith.constant 0.000000e+00 : f32
    %broadcast_in_dim3A_337 = vector.broadcast %jit3A_336 : f32 to vector<2048x512xf32>
    %select_n3A_338 = arith.select %or3A_324, %sub3A_335, %broadcast_in_dim3A_337 : vector<2048x512xi1>, vector<2048x512xf32>
    %reduce_sum3A_339 = arith.constant dense<0.000000e+00> : vector<512xf32>
    %reduce_sum3A_340 = vector.multi_reduction <add>, %select_n3A_338, %reduce_sum3A_339 [0] : vector<2048x512xf32> to vector<512xf32>
    %broadcast_in_dim3A_341 = vector.shape_cast %reduce_sum3A_340 : vector<512xf32> to vector<1x512xf32>
    %add3A_342 = arith.addf %sub3A_333, %broadcast_in_dim3A_341 : vector<1x512xf32>
    %convert_element_type3A_343 = arith.fptosi %add3A_342 : vector<1x512xf32> to vector<1x512xi32>
    %swap3A_344 = arith.constant 6 : index
    %swap3A_345 = arith.constant 0 : index
    %swap3A_346 = vector.load %arg5[%swap3A_344, %swap3A_345] : memref<12x512xi32, #tpu.memory_space<vmem>>, vector<1x512xi32>
    tpu.vector_store %arg5[%swap3A_344, %swap3A_345], %convert_element_type3A_343 {strides = array<i32>} : memref<12x512xi32, #tpu.memory_space<vmem>>, vector<1x512xi32>,
    %add3A_347 = arith.constant 3.584000e+03 : f32
    %add3A_348 = vector.broadcast %add3A_347 : f32 to vector<2048x512xf32>
    %add3A_349 = arith.addf %convert_element_type3A_136, %add3A_348 : vector<2048x512xf32>
    %eq3A_350 = vector.broadcast %broadcast_in_dim3A_114 : vector<2048x1xf32> to vector<2048x512xf32>
    %eq3A_351 = arith.cmpf oeq, %eq3A_350, %add3A_349 : vector<2048x512xf32>
    %eq3A_352 = vector.broadcast %broadcast_in_dim3A_124 : vector<2048x1xf32> to vector<2048x512xf32>
    %eq3A_353 = arith.cmpf oeq, %eq3A_352, %add3A_349 : vector<2048x512xf32>
    %or3A_354 = arith.ori %eq3A_351, %eq3A_353 : vector<2048x512xi1>
    %slice3A_355 = vector.extract_strided_slice %add3A_349 {offsets = [0, 0], sizes = [1, 512], strides = [1, 1]} : vector<2048x512xf32> to vector<1x512xf32>
    %mul3A_356 = arith.constant 4.8828125E-4 : f32
    %mul3A_357 = vector.broadcast %mul3A_356 : f32 to vector<1x512xf32>
    %mul3A_358 = arith.mulf %slice3A_355, %mul3A_357 : vector<1x512xf32>
    %floor3A_359 = math.floor %mul3A_358 : vector<1x512xf32>
    %mul3A_360 = arith.constant 2.048000e+03 : f32
    %mul3A_361 = vector.broadcast %mul3A_360 : f32 to vector<1x512xf32>
    %mul3A_362 = arith.mulf %floor3A_359, %mul3A_361 : vector<1x512xf32>
    %sub3A_363 = arith.subf %slice3A_355, %mul3A_362 : vector<1x512xf32>
    %sub3A_364 = vector.broadcast %sub3A_363 : vector<1x512xf32> to vector<2048x512xf32>
    %sub3A_365 = arith.subf %convert_element_type3A_134, %sub3A_364 : vector<2048x512xf32>
    %jit3A_366 = arith.constant 0.000000e+00 : f32
    %broadcast_in_dim3A_367 = vector.broadcast %jit3A_366 : f32 to vector<2048x512xf32>
    %select_n3A_368 = arith.select %or3A_354, %sub3A_365, %broadcast_in_dim3A_367 : vector<2048x512xi1>, vector<2048x512xf32>
    %reduce_sum3A_369 = arith.constant dense<0.000000e+00> : vector<512xf32>
    %reduce_sum3A_370 = vector.multi_reduction <add>, %select_n3A_368, %reduce_sum3A_369 [0] : vector<2048x512xf32> to vector<512xf32>
    %broadcast_in_dim3A_371 = vector.shape_cast %reduce_sum3A_370 : vector<512xf32> to vector<1x512xf32>
    %add3A_372 = arith.addf %sub3A_363, %broadcast_in_dim3A_371 : vector<1x512xf32>
    %convert_element_type3A_373 = arith.fptosi %add3A_372 : vector<1x512xf32> to vector<1x512xi32>
    %swap3A_374 = arith.constant 7 : index
    %swap3A_375 = arith.constant 0 : index
    %swap3A_376 = vector.load %arg5[%swap3A_374, %swap3A_375] : memref<12x512xi32, #tpu.memory_space<vmem>>, vector<1x512xi32>
    tpu.vector_store %arg5[%swap3A_374, %swap3A_375], %convert_element_type3A_373 {strides = array<i32>} : memref<12x512xi32, #tpu.memory_space<vmem>>, vector<1x512xi32>,
    %add3A_377 = arith.constant 4.096000e+03 : f32
    %add3A_378 = vector.broadcast %add3A_377 : f32 to vector<2048x512xf32>
    %add3A_379 = arith.addf %convert_element_type3A_136, %add3A_378 : vector<2048x512xf32>
    %eq3A_380 = vector.broadcast %broadcast_in_dim3A_114 : vector<2048x1xf32> to vector<2048x512xf32>
    %eq3A_381 = arith.cmpf oeq, %eq3A_380, %add3A_379 : vector<2048x512xf32>
    %eq3A_382 = vector.broadcast %broadcast_in_dim3A_124 : vector<2048x1xf32> to vector<2048x512xf32>
    %eq3A_383 = arith.cmpf oeq, %eq3A_382, %add3A_379 : vector<2048x512xf32>
    %or3A_384 = arith.ori %eq3A_381, %eq3A_383 : vector<2048x512xi1>
    %slice3A_385 = vector.extract_strided_slice %add3A_379 {offsets = [0, 0], sizes = [1, 512], strides = [1, 1]} : vector<2048x512xf32> to vector<1x512xf32>
    %mul3A_386 = arith.constant 4.8828125E-4 : f32
    %mul3A_387 = vector.broadcast %mul3A_386 : f32 to vector<1x512xf32>
    %mul3A_388 = arith.mulf %slice3A_385, %mul3A_387 : vector<1x512xf32>
    %floor3A_389 = math.floor %mul3A_388 : vector<1x512xf32>
    %mul3A_390 = arith.constant 2.048000e+03 : f32
    %mul3A_391 = vector.broadcast %mul3A_390 : f32 to vector<1x512xf32>
    %mul3A_392 = arith.mulf %floor3A_389, %mul3A_391 : vector<1x512xf32>
    %sub3A_393 = arith.subf %slice3A_385, %mul3A_392 : vector<1x512xf32>
    %sub3A_394 = vector.broadcast %sub3A_393 : vector<1x512xf32> to vector<2048x512xf32>
    %sub3A_395 = arith.subf %convert_element_type3A_134, %sub3A_394 : vector<2048x512xf32>
    %jit3A_396 = arith.constant 0.000000e+00 : f32
    %broadcast_in_dim3A_397 = vector.broadcast %jit3A_396 : f32 to vector<2048x512xf32>
    %select_n3A_398 = arith.select %or3A_384, %sub3A_395, %broadcast_in_dim3A_397 : vector<2048x512xi1>, vector<2048x512xf32>
    %reduce_sum3A_399 = arith.constant dense<0.000000e+00> : vector<512xf32>
    %reduce_sum3A_400 = vector.multi_reduction <add>, %select_n3A_398, %reduce_sum3A_399 [0] : vector<2048x512xf32> to vector<512xf32>
    %broadcast_in_dim3A_401 = vector.shape_cast %reduce_sum3A_400 : vector<512xf32> to vector<1x512xf32>
    %add3A_402 = arith.addf %sub3A_393, %broadcast_in_dim3A_401 : vector<1x512xf32>
    %convert_element_type3A_403 = arith.fptosi %add3A_402 : vector<1x512xf32> to vector<1x512xi32>
    %swap3A_404 = arith.constant 8 : index
    %swap3A_405 = arith.constant 0 : index
    %swap3A_406 = vector.load %arg5[%swap3A_404, %swap3A_405] : memref<12x512xi32, #tpu.memory_space<vmem>>, vector<1x512xi32>
    tpu.vector_store %arg5[%swap3A_404, %swap3A_405], %convert_element_type3A_403 {strides = array<i32>} : memref<12x512xi32, #tpu.memory_space<vmem>>, vector<1x512xi32>,
    %add3A_407 = arith.constant 4.608000e+03 : f32
    %add3A_408 = vector.broadcast %add3A_407 : f32 to vector<2048x512xf32>
    %add3A_409 = arith.addf %convert_element_type3A_136, %add3A_408 : vector<2048x512xf32>
    %eq3A_410 = vector.broadcast %broadcast_in_dim3A_114 : vector<2048x1xf32> to vector<2048x512xf32>
    %eq3A_411 = arith.cmpf oeq, %eq3A_410, %add3A_409 : vector<2048x512xf32>
    %eq3A_412 = vector.broadcast %broadcast_in_dim3A_124 : vector<2048x1xf32> to vector<2048x512xf32>
    %eq3A_413 = arith.cmpf oeq, %eq3A_412, %add3A_409 : vector<2048x512xf32>
    %or3A_414 = arith.ori %eq3A_411, %eq3A_413 : vector<2048x512xi1>
    %slice3A_415 = vector.extract_strided_slice %add3A_409 {offsets = [0, 0], sizes = [1, 512], strides = [1, 1]} : vector<2048x512xf32> to vector<1x512xf32>
    %mul3A_416 = arith.constant 4.8828125E-4 : f32
    %mul3A_417 = vector.broadcast %mul3A_416 : f32 to vector<1x512xf32>
    %mul3A_418 = arith.mulf %slice3A_415, %mul3A_417 : vector<1x512xf32>
    %floor3A_419 = math.floor %mul3A_418 : vector<1x512xf32>
    %mul3A_420 = arith.constant 2.048000e+03 : f32
    %mul3A_421 = vector.broadcast %mul3A_420 : f32 to vector<1x512xf32>
    %mul3A_422 = arith.mulf %floor3A_419, %mul3A_421 : vector<1x512xf32>
    %sub3A_423 = arith.subf %slice3A_415, %mul3A_422 : vector<1x512xf32>
    %sub3A_424 = vector.broadcast %sub3A_423 : vector<1x512xf32> to vector<2048x512xf32>
    %sub3A_425 = arith.subf %convert_element_type3A_134, %sub3A_424 : vector<2048x512xf32>
    %jit3A_426 = arith.constant 0.000000e+00 : f32
    %broadcast_in_dim3A_427 = vector.broadcast %jit3A_426 : f32 to vector<2048x512xf32>
    %select_n3A_428 = arith.select %or3A_414, %sub3A_425, %broadcast_in_dim3A_427 : vector<2048x512xi1>, vector<2048x512xf32>
    %reduce_sum3A_429 = arith.constant dense<0.000000e+00> : vector<512xf32>
    %reduce_sum3A_430 = vector.multi_reduction <add>, %select_n3A_428, %reduce_sum3A_429 [0] : vector<2048x512xf32> to vector<512xf32>
    %broadcast_in_dim3A_431 = vector.shape_cast %reduce_sum3A_430 : vector<512xf32> to vector<1x512xf32>
    %add3A_432 = arith.addf %sub3A_423, %broadcast_in_dim3A_431 : vector<1x512xf32>
    %convert_element_type3A_433 = arith.fptosi %add3A_432 : vector<1x512xf32> to vector<1x512xi32>
    %swap3A_434 = arith.constant 9 : index
    %swap3A_435 = arith.constant 0 : index
    %swap3A_436 = vector.load %arg5[%swap3A_434, %swap3A_435] : memref<12x512xi32, #tpu.memory_space<vmem>>, vector<1x512xi32>
    tpu.vector_store %arg5[%swap3A_434, %swap3A_435], %convert_element_type3A_433 {strides = array<i32>} : memref<12x512xi32, #tpu.memory_space<vmem>>, vector<1x512xi32>,
    %add3A_437 = arith.constant 5.120000e+03 : f32
    %add3A_438 = vector.broadcast %add3A_437 : f32 to vector<2048x512xf32>
    %add3A_439 = arith.addf %convert_element_type3A_136, %add3A_438 : vector<2048x512xf32>
    %eq3A_440 = vector.broadcast %broadcast_in_dim3A_114 : vector<2048x1xf32> to vector<2048x512xf32>
    %eq3A_441 = arith.cmpf oeq, %eq3A_440, %add3A_439 : vector<2048x512xf32>
    %eq3A_442 = vector.broadcast %broadcast_in_dim3A_124 : vector<2048x1xf32> to vector<2048x512xf32>
    %eq3A_443 = arith.cmpf oeq, %eq3A_442, %add3A_439 : vector<2048x512xf32>
    %or3A_444 = arith.ori %eq3A_441, %eq3A_443 : vector<2048x512xi1>
    %slice3A_445 = vector.extract_strided_slice %add3A_439 {offsets = [0, 0], sizes = [1, 512], strides = [1, 1]} : vector<2048x512xf32> to vector<1x512xf32>
    %mul3A_446 = arith.constant 4.8828125E-4 : f32
    %mul3A_447 = vector.broadcast %mul3A_446 : f32 to vector<1x512xf32>
    %mul3A_448 = arith.mulf %slice3A_445, %mul3A_447 : vector<1x512xf32>
    %floor3A_449 = math.floor %mul3A_448 : vector<1x512xf32>
    %mul3A_450 = arith.constant 2.048000e+03 : f32
    %mul3A_451 = vector.broadcast %mul3A_450 : f32 to vector<1x512xf32>
    %mul3A_452 = arith.mulf %floor3A_449, %mul3A_451 : vector<1x512xf32>
    %sub3A_453 = arith.subf %slice3A_445, %mul3A_452 : vector<1x512xf32>
    %sub3A_454 = vector.broadcast %sub3A_453 : vector<1x512xf32> to vector<2048x512xf32>
    %sub3A_455 = arith.subf %convert_element_type3A_134, %sub3A_454 : vector<2048x512xf32>
    %jit3A_456 = arith.constant 0.000000e+00 : f32
    %broadcast_in_dim3A_457 = vector.broadcast %jit3A_456 : f32 to vector<2048x512xf32>
    %select_n3A_458 = arith.select %or3A_444, %sub3A_455, %broadcast_in_dim3A_457 : vector<2048x512xi1>, vector<2048x512xf32>
    %reduce_sum3A_459 = arith.constant dense<0.000000e+00> : vector<512xf32>
    %reduce_sum3A_460 = vector.multi_reduction <add>, %select_n3A_458, %reduce_sum3A_459 [0] : vector<2048x512xf32> to vector<512xf32>
    %broadcast_in_dim3A_461 = vector.shape_cast %reduce_sum3A_460 : vector<512xf32> to vector<1x512xf32>
    %add3A_462 = arith.addf %sub3A_453, %broadcast_in_dim3A_461 : vector<1x512xf32>
    %convert_element_type3A_463 = arith.fptosi %add3A_462 : vector<1x512xf32> to vector<1x512xi32>
    %swap3A_464 = arith.constant 10 : index
    %swap3A_465 = arith.constant 0 : index
    %swap3A_466 = vector.load %arg5[%swap3A_464, %swap3A_465] : memref<12x512xi32, #tpu.memory_space<vmem>>, vector<1x512xi32>
    tpu.vector_store %arg5[%swap3A_464, %swap3A_465], %convert_element_type3A_463 {strides = array<i32>} : memref<12x512xi32, #tpu.memory_space<vmem>>, vector<1x512xi32>,
    %add3A_467 = arith.constant 5.632000e+03 : f32
    %add3A_468 = vector.broadcast %add3A_467 : f32 to vector<2048x512xf32>
    %add3A_469 = arith.addf %convert_element_type3A_136, %add3A_468 : vector<2048x512xf32>
    %eq3A_470 = vector.broadcast %broadcast_in_dim3A_114 : vector<2048x1xf32> to vector<2048x512xf32>
    %eq3A_471 = arith.cmpf oeq, %eq3A_470, %add3A_469 : vector<2048x512xf32>
    %eq3A_472 = vector.broadcast %broadcast_in_dim3A_124 : vector<2048x1xf32> to vector<2048x512xf32>
    %eq3A_473 = arith.cmpf oeq, %eq3A_472, %add3A_469 : vector<2048x512xf32>
    %or3A_474 = arith.ori %eq3A_471, %eq3A_473 : vector<2048x512xi1>
    %slice3A_475 = vector.extract_strided_slice %add3A_469 {offsets = [0, 0], sizes = [1, 512], strides = [1, 1]} : vector<2048x512xf32> to vector<1x512xf32>
    %mul3A_476 = arith.constant 4.8828125E-4 : f32
    %mul3A_477 = vector.broadcast %mul3A_476 : f32 to vector<1x512xf32>
    %mul3A_478 = arith.mulf %slice3A_475, %mul3A_477 : vector<1x512xf32>
    %floor3A_479 = math.floor %mul3A_478 : vector<1x512xf32>
    %mul3A_480 = arith.constant 2.048000e+03 : f32
    %mul3A_481 = vector.broadcast %mul3A_480 : f32 to vector<1x512xf32>
    %mul3A_482 = arith.mulf %floor3A_479, %mul3A_481 : vector<1x512xf32>
    %sub3A_483 = arith.subf %slice3A_475, %mul3A_482 : vector<1x512xf32>
    %sub3A_484 = vector.broadcast %sub3A_483 : vector<1x512xf32> to vector<2048x512xf32>
    %sub3A_485 = arith.subf %convert_element_type3A_134, %sub3A_484 : vector<2048x512xf32>
    %jit3A_486 = arith.constant 0.000000e+00 : f32
    %broadcast_in_dim3A_487 = vector.broadcast %jit3A_486 : f32 to vector<2048x512xf32>
    %select_n3A_488 = arith.select %or3A_474, %sub3A_485, %broadcast_in_dim3A_487 : vector<2048x512xi1>, vector<2048x512xf32>
    %reduce_sum3A_489 = arith.constant dense<0.000000e+00> : vector<512xf32>
    %reduce_sum3A_490 = vector.multi_reduction <add>, %select_n3A_488, %reduce_sum3A_489 [0] : vector<2048x512xf32> to vector<512xf32>
    %broadcast_in_dim3A_491 = vector.shape_cast %reduce_sum3A_490 : vector<512xf32> to vector<1x512xf32>
    %add3A_492 = arith.addf %sub3A_483, %broadcast_in_dim3A_491 : vector<1x512xf32>
    %convert_element_type3A_493 = arith.fptosi %add3A_492 : vector<1x512xf32> to vector<1x512xi32>
    %swap3A_494 = arith.constant 11 : index
    %swap3A_495 = arith.constant 0 : index
    %swap3A_496 = vector.load %arg5[%swap3A_494, %swap3A_495] : memref<12x512xi32, #tpu.memory_space<vmem>>, vector<1x512xi32>
    tpu.vector_store %arg5[%swap3A_494, %swap3A_495], %convert_element_type3A_493 {strides = array<i32>} : memref<12x512xi32, #tpu.memory_space<vmem>>, vector<1x512xi32>,
    %eq3A_497 = arith.cmpi eq, %iota3A_96, %iota3A_97 : vector<8x8xi32>
    %broadcast_in_dim3A_498 = vector.shape_cast %dot_general3A_101 : vector<1x8xf32> to vector<1x8xf32>
    %broadcast_in_dim3A_499 = vector.broadcast %broadcast_in_dim3A_498 : vector<1x8xf32> to vector<8x8xf32>
    %jit3A_500 = arith.constant 0.000000e+00 : f32
    %broadcast_in_dim3A_501 = vector.broadcast %jit3A_500 : f32 to vector<8x8xf32>
    %select_n3A_502 = arith.select %eq3A_497, %broadcast_in_dim3A_499, %broadcast_in_dim3A_501 : vector<8x8xi1>, vector<8x8xf32>
    %reduce_sum3A_503 = arith.constant dense<0.000000e+00> : vector<8xf32>
    %reduce_sum3A_504 = vector.multi_reduction <add>, %select_n3A_502, %reduce_sum3A_503 [1] : vector<8x8xf32> to vector<8xf32>
    %broadcast_in_dim3A_505 = vector.shape_cast %reduce_sum3A_504 : vector<8xf32> to vector<8x1xf32>
    %iota3A_506 = tpu.iota {dimensions = array<i32: 1>} : vector<8x24xi32>
    %convert_element_type3A_507 = arith.sitofp %iota3A_506 : vector<8x24xi32> to vector<8x24xf32>
    %ge3A = vector.broadcast %broadcast_in_dim3A_505 : vector<8x1xf32> to vector<8x24xf32>
    %ge3A_508 = arith.cmpf oge, %convert_element_type3A_507, %ge3A : vector<8x24xf32>
    %convert_element_type3A_509 = arith.extui %ge3A_508 : vector<8x24xi1> to vector<8x24xi32>
    %convert_element_type3A_510 = arith.sitofp %convert_element_type3A_509 : vector<8x24xi32> to vector<8x24xf32>
    %reduce_sum3A_511 = arith.constant dense<0.000000e+00> : vector<24xf32>
    %reduce_sum3A_512 = vector.multi_reduction <add>, %convert_element_type3A_510, %reduce_sum3A_511 [0] : vector<8x24xf32> to vector<24xf32>
    %broadcast_in_dim3A_513 = vector.shape_cast %reduce_sum3A_512 : vector<24xf32> to vector<1x24xf32>
    %sub3A_514 = arith.constant 1.000000e+00 : f32
    %sub3A_515 = vector.broadcast %sub3A_514 : f32 to vector<1x24xf32>
    %sub3A_516 = arith.subf %broadcast_in_dim3A_513, %sub3A_515 : vector<1x24xf32>
    %convert_element_type3A_517 = arith.fptosi %sub3A_516 : vector<1x24xf32> to vector<1x24xi32>
    %swap3A_518 = arith.constant 0 : index
    %swap3A_519 = arith.constant 0 : index
    %swap3A_520 = vector.load %arg8[%swap3A_518, %swap3A_519] : memref<1x24xi32, #tpu.memory_space<vmem>>, vector<1x24xi32>
    tpu.vector_store %arg8[%swap3A_518, %swap3A_519], %convert_element_type3A_517 {strides = array<i32>} : memref<1x24xi32, #tpu.memory_space<vmem>>, vector<1x24xi32>,
    return
  }
}

module attributes {stable_mosaic.version = 14 : i64} {
  func.func @_sharedh_body(%arg0: i32, %arg1: memref<256x512xf32, #tpu.memory_space<vmem>>, %arg2: memref<1024x1024xf32, #tpu.memory_space<vmem>>, %arg3: memref<1024x1024xf32, #tpu.memory_space<vmem>>, %arg4: memref<256x1024xbf16, #tpu.memory_space<vmem>>) attributes {dimension_semantics = [#tpu.dimension_semantics<arbitrary>], iteration_bounds = array<i64: 8>, scalar_prefetch = 0 : i64, scratch_operands = 0 : i64, tpu.core_type = #tpu.core_type<tc>, window_params = [{transform_indices = @transform_0, window_bounds = array<i64: 256, 512>}, {pipeline_mode = #tpu.pipeline_mode<synchronous>, transform_indices = @transform_1, window_bounds = array<i64: 1024, 1024>}, {pipeline_mode = #tpu.pipeline_mode<synchronous>, transform_indices = @transform_2, window_bounds = array<i64: 1024, 1024>}, {transform_indices = @transform_3, window_bounds = array<i64: 256, 1024>}]} {
    %get3A = arith.constant 0 : index
    %get3A_0 = arith.constant 0 : index
    %get3A_1 = vector.load %arg1[%get3A, %get3A_0] : memref<256x512xf32, #tpu.memory_space<vmem>>, vector<256x512xf32>
    %bitcast_convert_type3A = tpu.bitcast %get3A_1 : vector<256x512xf32> -> vector<256x512xi32>
    %shift_left3A = arith.constant 16 : i32
    %shift_left3A_2 = vector.broadcast %shift_left3A : i32 to vector<256x512xi32>
    %shift_left3A_3 = arith.shli %bitcast_convert_type3A, %shift_left3A_2 : vector<256x512xi32>
    %bitcast_convert_type3A_4 = tpu.bitcast %shift_left3A_3 : vector<256x512xi32> -> vector<256x512xf32>
    %and3A = arith.constant -65536 : i32
    %and3A_5 = vector.broadcast %and3A : i32 to vector<256x512xi32>
    %and3A_6 = arith.andi %bitcast_convert_type3A, %and3A_5 : vector<256x512xi32>
    %bitcast_convert_type3A_7 = tpu.bitcast %and3A_6 : vector<256x512xi32> -> vector<256x512xf32>
    %concatenate3A = tpu.concatenate %bitcast_convert_type3A_4, %bitcast_convert_type3A_7 in 1 : vector<256x512xf32>, vector<256x512xf32> -> vector<256x1024xf32>
    %convert_element_type3A = arith.truncf %concatenate3A : vector<256x1024xf32> to vector<256x1024xbf16>
    %get3A_8 = arith.constant 0 : index
    %get3A_9 = arith.constant 0 : index
    %get3A_10 = vector.load %arg2[%get3A_8, %get3A_9] : memref<1024x1024xf32, #tpu.memory_space<vmem>>, vector<1024x1024xf32>
    %convert_element_type3A_11 = arith.truncf %get3A_10 : vector<1024x1024xf32> to vector<1024x1024xbf16>
    %dot_general3A = arith.constant dense<0.000000e+00> : vector<256x1024xf32>
    %dot_general3A_12 = tpu.matmul %convert_element_type3A, %convert_element_type3A_11, %dot_general3A {dimension_numbers = #tpu.dot_dimension_numbers<[1], [1], [0], [0], [0, 0, 1, 0], [], []>, transpose_lhs_hint = false} : vector<256x1024xbf16>, vector<1024x1024xbf16>, vector<256x1024xf32> -> vector<256x1024xf32>
    %logistic3A = arith.negf %dot_general3A_12 : vector<256x1024xf32>
    %logistic3A_13 = math.exp %logistic3A : vector<256x1024xf32>
    %logistic3A_14 = arith.constant 1.000000e+00 : f32
    %logistic3A_15 = vector.broadcast %logistic3A_14 : f32 to vector<256x1024xf32>
    %logistic3A_16 = arith.addf %logistic3A_15, %logistic3A_13 : vector<256x1024xf32>
    %logistic3A_17 = arith.divf %logistic3A_15, %logistic3A_16 : vector<256x1024xf32>
    %mul3A = arith.mulf %dot_general3A_12, %logistic3A_17 : vector<256x1024xf32>
    %get3A_18 = arith.constant 0 : index
    %get3A_19 = arith.constant 0 : index
    %get3A_20 = vector.load %arg3[%get3A_18, %get3A_19] : memref<1024x1024xf32, #tpu.memory_space<vmem>>, vector<1024x1024xf32>
    %convert_element_type3A_21 = arith.truncf %get3A_20 : vector<1024x1024xf32> to vector<1024x1024xbf16>
    %dot_general3A_22 = arith.constant dense<0.000000e+00> : vector<256x1024xf32>
    %dot_general3A_23 = tpu.matmul %convert_element_type3A, %convert_element_type3A_21, %dot_general3A_22 {dimension_numbers = #tpu.dot_dimension_numbers<[1], [1], [0], [0], [0, 0, 1, 0], [], []>, transpose_lhs_hint = false} : vector<256x1024xbf16>, vector<1024x1024xbf16>, vector<256x1024xf32> -> vector<256x1024xf32>
    %mul3A_24 = arith.mulf %mul3A, %dot_general3A_23 : vector<256x1024xf32>
    %convert_element_type3A_25 = arith.truncf %mul3A_24 : vector<256x1024xf32> to vector<256x1024xbf16>
    %swap3A = arith.constant 0 : index
    %swap3A_26 = arith.constant 0 : index
    %swap3A_27 = vector.load %arg4[%swap3A, %swap3A_26] : memref<256x1024xbf16, #tpu.memory_space<vmem>>, vector<256x1024xbf16>
    tpu.vector_store %arg4[%swap3A, %swap3A_26], %convert_element_type3A_25 {strides = array<i32>} : memref<256x1024xbf16, #tpu.memory_space<vmem>>, vector<256x1024xbf16>,
    return
  }
  func.func @transform_0(%arg0: i32) -> (i32, i32) {
    %c0_i32 = arith.constant 0 : i32
    %c0_i32_0 = arith.constant 0 : i32
    return %arg0, %c0_i32 : i32, i32
  }
  func.func @transform_1(%arg0: i32) -> (i32, i32) {
    %c0_i32 = arith.constant 0 : i32
    %c0_i32_0 = arith.constant 0 : i32
    %c0_i32_1 = arith.constant 0 : i32
    return %c0_i32, %c0_i32_0 : i32, i32
  }
  func.func @transform_2(%arg0: i32) -> (i32, i32) {
    %c0_i32 = arith.constant 0 : i32
    %c0_i32_0 = arith.constant 0 : i32
    %c0_i32_1 = arith.constant 0 : i32
    return %c0_i32, %c0_i32_0 : i32, i32
  }
  func.func @transform_3(%arg0: i32) -> (i32, i32) {
    %c0_i32 = arith.constant 0 : i32
    %c0_i32_0 = arith.constant 0 : i32
    return %arg0, %c0_i32 : i32, i32
  }
}

module attributes {stable_mosaic.version = 14 : i64} {
  func.func @_final_body(%arg0: i32, %arg1: memref<256x1024xbf16, #tpu.memory_space<vmem>>, %arg2: memref<256x512xf32, #tpu.memory_space<vmem>>, %arg3: memref<256x512xf32, #tpu.memory_space<vmem>>, %arg4: memref<256x1xf32, #tpu.memory_space<vmem>>, %arg5: memref<256x1xf32, #tpu.memory_space<vmem>>, %arg6: memref<1024x1024xf32, #tpu.memory_space<vmem>>, %arg7: memref<256x1024xf32, #tpu.memory_space<vmem>>) attributes {dimension_semantics = [#tpu.dimension_semantics<arbitrary>], iteration_bounds = array<i64: 8>, scalar_prefetch = 0 : i64, scratch_operands = 0 : i64, tpu.core_type = #tpu.core_type<tc>, window_params = [{transform_indices = @transform_0, window_bounds = array<i64: 256, 1024>}, {transform_indices = @transform_1, window_bounds = array<i64: 256, 512>}, {transform_indices = @transform_2, window_bounds = array<i64: 256, 512>}, {transform_indices = @transform_3, window_bounds = array<i64: 256, 1>}, {transform_indices = @transform_4, window_bounds = array<i64: 256, 1>}, {pipeline_mode = #tpu.pipeline_mode<synchronous>, transform_indices = @transform_5, window_bounds = array<i64: 1024, 1024>}, {transform_indices = @transform_6, window_bounds = array<i64: 256, 1024>}]} {
    %get3A = arith.constant 0 : index
    %get3A_0 = arith.constant 0 : index
    %get3A_1 = vector.load %arg1[%get3A, %get3A_0] : memref<256x1024xbf16, #tpu.memory_space<vmem>>, vector<256x1024xbf16>
    %get3A_2 = arith.constant 0 : index
    %get3A_3 = arith.constant 0 : index
    %get3A_4 = vector.load %arg6[%get3A_2, %get3A_3] : memref<1024x1024xf32, #tpu.memory_space<vmem>>, vector<1024x1024xf32>
    %convert_element_type3A = arith.truncf %get3A_4 : vector<1024x1024xf32> to vector<1024x1024xbf16>
    %dot_general3A = arith.constant dense<0.000000e+00> : vector<256x1024xf32>
    %dot_general3A_5 = tpu.matmul %get3A_1, %convert_element_type3A, %dot_general3A {dimension_numbers = #tpu.dot_dimension_numbers<[1], [1], [0], [0], [0, 0, 1, 0], [], []>, transpose_lhs_hint = false} : vector<256x1024xbf16>, vector<1024x1024xbf16>, vector<256x1024xf32> -> vector<256x1024xf32>
    %get3A_6 = arith.constant 0 : index
    %get3A_7 = arith.constant 0 : index
    %get3A_8 = vector.load %arg2[%get3A_6, %get3A_7] : memref<256x512xf32, #tpu.memory_space<vmem>>, vector<256x512xf32>
    %bitcast_convert_type3A = tpu.bitcast %get3A_8 : vector<256x512xf32> -> vector<256x512xi32>
    %shift_left3A = arith.constant 16 : i32
    %shift_left3A_9 = vector.broadcast %shift_left3A : i32 to vector<256x512xi32>
    %shift_left3A_10 = arith.shli %bitcast_convert_type3A, %shift_left3A_9 : vector<256x512xi32>
    %bitcast_convert_type3A_11 = tpu.bitcast %shift_left3A_10 : vector<256x512xi32> -> vector<256x512xf32>
    %and3A = arith.constant -65536 : i32
    %and3A_12 = vector.broadcast %and3A : i32 to vector<256x512xi32>
    %and3A_13 = arith.andi %bitcast_convert_type3A, %and3A_12 : vector<256x512xi32>
    %bitcast_convert_type3A_14 = tpu.bitcast %and3A_13 : vector<256x512xi32> -> vector<256x512xf32>
    %concatenate3A = tpu.concatenate %bitcast_convert_type3A_11, %bitcast_convert_type3A_14 in 1 : vector<256x512xf32>, vector<256x512xf32> -> vector<256x1024xf32>
    %convert_element_type3A_15 = arith.truncf %concatenate3A : vector<256x1024xf32> to vector<256x1024xbf16>
    %convert_element_type3A_16 = arith.extf %convert_element_type3A_15 : vector<256x1024xbf16> to vector<256x1024xf32>
    %get3A_17 = arith.constant 0 : index
    %get3A_18 = arith.constant 0 : index
    %get3A_19 = vector.load %arg3[%get3A_17, %get3A_18] : memref<256x512xf32, #tpu.memory_space<vmem>>, vector<256x512xf32>
    %bitcast_convert_type3A_20 = tpu.bitcast %get3A_19 : vector<256x512xf32> -> vector<256x512xi32>
    %shift_left3A_21 = arith.constant 16 : i32
    %shift_left3A_22 = vector.broadcast %shift_left3A_21 : i32 to vector<256x512xi32>
    %shift_left3A_23 = arith.shli %bitcast_convert_type3A_20, %shift_left3A_22 : vector<256x512xi32>
    %bitcast_convert_type3A_24 = tpu.bitcast %shift_left3A_23 : vector<256x512xi32> -> vector<256x512xf32>
    %and3A_25 = arith.constant -65536 : i32
    %and3A_26 = vector.broadcast %and3A_25 : i32 to vector<256x512xi32>
    %and3A_27 = arith.andi %bitcast_convert_type3A_20, %and3A_26 : vector<256x512xi32>
    %bitcast_convert_type3A_28 = tpu.bitcast %and3A_27 : vector<256x512xi32> -> vector<256x512xf32>
    %concatenate3A_29 = tpu.concatenate %bitcast_convert_type3A_24, %bitcast_convert_type3A_28 in 1 : vector<256x512xf32>, vector<256x512xf32> -> vector<256x1024xf32>
    %convert_element_type3A_30 = arith.truncf %concatenate3A_29 : vector<256x1024xf32> to vector<256x1024xbf16>
    %convert_element_type3A_31 = arith.extf %convert_element_type3A_30 : vector<256x1024xbf16> to vector<256x1024xf32>
    %get3A_32 = arith.constant 0 : index
    %get3A_33 = arith.constant 0 : index
    %get3A_34 = vector.load %arg4[%get3A_32, %get3A_33] : memref<256x1xf32, #tpu.memory_space<vmem>>, vector<256x1xf32>
    %mul3A = vector.broadcast %get3A_34 : vector<256x1xf32> to vector<256x1024xf32>
    %mul3A_35 = arith.mulf %mul3A, %convert_element_type3A_16 : vector<256x1024xf32>
    %add3A = arith.addf %dot_general3A_5, %mul3A_35 : vector<256x1024xf32>
    %get3A_36 = arith.constant 0 : index
    %get3A_37 = arith.constant 0 : index
    %get3A_38 = vector.load %arg5[%get3A_36, %get3A_37] : memref<256x1xf32, #tpu.memory_space<vmem>>, vector<256x1xf32>
    %mul3A_39 = vector.broadcast %get3A_38 : vector<256x1xf32> to vector<256x1024xf32>
    %mul3A_40 = arith.mulf %mul3A_39, %convert_element_type3A_31 : vector<256x1024xf32>
    %add3A_41 = arith.addf %add3A, %mul3A_40 : vector<256x1024xf32>
    %swap3A = arith.constant 0 : index
    %swap3A_42 = arith.constant 0 : index
    %swap3A_43 = vector.load %arg7[%swap3A, %swap3A_42] : memref<256x1024xf32, #tpu.memory_space<vmem>>, vector<256x1024xf32>
    tpu.vector_store %arg7[%swap3A, %swap3A_42], %add3A_41 {strides = array<i32>} : memref<256x1024xf32, #tpu.memory_space<vmem>>, vector<256x1024xf32>,
    return
  }
  func.func @transform_0(%arg0: i32) -> (i32, i32) {
    %c0_i32 = arith.constant 0 : i32
    %c0_i32_0 = arith.constant 0 : i32
    return %arg0, %c0_i32 : i32, i32
  }
  func.func @transform_1(%arg0: i32) -> (i32, i32) {
    %c0_i32 = arith.constant 0 : i32
    %c0_i32_0 = arith.constant 0 : i32
    return %arg0, %c0_i32 : i32, i32
  }
  func.func @transform_2(%arg0: i32) -> (i32, i32) {
    %c0_i32 = arith.constant 0 : i32
    %c0_i32_0 = arith.constant 0 : i32
    return %arg0, %c0_i32 : i32, i32
  }
  func.func @transform_3(%arg0: i32) -> (i32, i32) {
    %c0_i32 = arith.constant 0 : i32
    %c0_i32_0 = arith.constant 0 : i32
    return %arg0, %c0_i32 : i32, i32
  }
  func.func @transform_4(%arg0: i32) -> (i32, i32) {
    %c0_i32 = arith.constant 0 : i32
    %c0_i32_0 = arith.constant 0 : i32
    return %arg0, %c0_i32 : i32, i32
  }
  func.func @transform_5(%arg0: i32) -> (i32, i32) {
    %c0_i32 = arith.constant 0 : i32
    %c0_i32_0 = arith.constant 0 : i32
    %c0_i32_1 = arith.constant 0 : i32
    return %c0_i32, %c0_i32_0 : i32, i32
  }
  func.func @transform_6(%arg0: i32) -> (i32, i32) {
    %c0_i32 = arith.constant 0 : i32
    %c0_i32_0 = arith.constant 0 : i32
    return %arg0, %c0_i32 : i32, i32
  }
}

</mosaic_0001>

<sc_bundles>
// kernel: _run.11.cloned.1.call-start
scs
__scs_entry_jumppad:
0x0: {  	(pc) =	sbr.rel $0x88, $3  }
0x1: {  	(tag) =	ssettag $0x0;
	lr =	simm.s32 $0x1  }
0x2: {  	[smem:$0x3F98] =	sst lr;
	_ =	strace $0xD0000000  }
0x3: {  	_ = 	snop  }
0x4: {  	_ = 	snop  }
0x5: {  	_ = 	snop  }
0x6: {  	_ = 	snop  }
0x7: {  	_ = 	snop  }
__scs_overlays_trampoline_lowered:
0x8: {  	[smem:$0x3FA7] =	sst s0  }
0x9: {  	[smem:$0x3FA8] =	sst s1  }
0xa: {  	[smem:$0x3FA9] =	sst s2  }
0xb: {  	[smem:$0x3FAA] =	sst s3  }
0xc: {  	[smem:$0x3FAB] =	sst s4  }
0xd: {  	[smem:$0x3FAC] =	sst s5  }
0xe: {  	[smem:$0x3FAD] =	sst s6  }
0xf: {  	[smem:$0x3FAE] =	sst s7  }
0x10: {  	[smem:$0x3FAF] =	sst s8  }
0x11: {  	[smem:$0x3FB0] =	sst s9;
	s0 =	simm.s32 @!p0 $0x0  }
0x12: {  	s1 =	sld [smem:$0x3F96];
	s0 =	simm.s32 @p0 $0x1  }
0x13: {  	[smem:$0x3FB1] =	sst s0;
	s0 =	simm.s32 @!p1 $0x0  }
0x14: {  	s2 =	sld [smem:$0x3F95];
	s0 =	simm.s32 @p1 $0x1  }
0x15: {  	[smem:$0x3FB2] =	sst s0;
	s0 =	simm.s32 @!p2 $0x0  }
0x16: {  	s3 =	sld [smem:$0x3FDB];
	s0 =	simm.s32 @p2 $0x1  }
0x17: {  	s4 =	simm.s32 $0x1BF5;
	[smem:$0x3FB4] =	sst s0  }
0x18: {  	s0 =	sld [smem:$0x3F97];
	_ =	swait.ge [sflag:s4], $0x0  }
0x19: {  	s7 =	sld [smem:$0x3F98]  }
0x1a: {  	s8 =	sadd.s32 $0xFFFFE003, lr  }
0x1b: {  	s9 =	sadd.s32 $0xFFFFFEF7, lr;
	s5 =	simm.s32 $0xFFFFFFFF;
	p2 =	slt.u32 s8, $0xFFFFF086  }
0x1c: {  	p1 =	slt.u32 s9, $0xF7A;
	s5 =	simm.s32 @!p2 $0x0  }
0x1d: {  	s5 =	simm.s32 @p1 $0x1;
	p0 =	seq.s32 s7, s2  }
0x1e: {  	s7 =	smul.u32 @!p0 $0xF7A, s2;
	p2 =	seq.s32 @!p0 s5, $0x0  }
0x1f: {  	s9 =	smul.u32 $0xF7A, s1;
	s8 =	simm.s32 @!p0 $0x1BF5;
	p2 =	por !p2, p0  }
0x20: {  	[sflag:s8] =	ssyncset.s32 @!p0 $0xFFFFF086;
	s6 =	sadd.s32 @!p0 s3, s7;
	s7 =	simm.s32 @!p0 $0x108  }
0x21: {  	s3 =	sadd.s32 s3, s9;
	s6 =	sadd.s32 @!p0 $0x88, s6;
	s7 =	simm.s32 @p2 $0x1082  }
0x22: {  	[simem:s7], [sflag:s8] =	dma.local @!p0 [hbm:s6], $0xF7A  }
0x23: {  	s9 =	sor.u32 $0xD0000000, s2;
	s6 =	simm.s32 $0x108;
	_ =	swait.ge @!p0 [sflag:s8], $0x0  }
0x24: {  	s3 =	sadd.s32 $0x88, s3;
	s6 =	simm.s32 @!p1 $0x1082;
	[sflag:s4] =	ssyncset.s32 $0xFFFFF086  }
0x25: {  	[simem:s6], [sflag:s4] =	dma.local [hbm:s3], $0xF7A  }
0x26: {  	[smem:$0x3F98] =	sst s1;
	(tag) =	ssettag s2;
	_ =	strace s9  }
0x27: {  	s1 =	sld [smem:$0x3FA8]  }
0x28: {  	s2 =	sld [smem:$0x3FA9]  }
0x29: {  	s4 =	sld [smem:$0x3FAB]  }
0x2a: {  	p0 =	seq.s32 s5, $0x0;
	s5 =	sld [smem:$0x3FAC]  }
0x2b: {  	s6 =	sld [smem:$0x3FAD]  }
0x2c: {  	s7 =	sld [smem:$0x3FAE]  }
0x2d: {  	s3 =	simm.s32 $0x108;
	s8 =	sld [smem:$0x3FAF]  }
0x2e: {  	s3 =	simm.s32 @!p0 $0x1082;
	s9 =	sld [smem:$0x3FB0]  }
0x2f: {  	lr =	sadd.s32 s0, s3;
	s0 =	sld [smem:$0x3FA7]  }
0x30: {  	s3 =	sld [smem:$0x3FAA]  }
0x31: {  	[smem:$0x3FB3] =	sst s10  }
0x32: {  	s10 =	sld [smem:$0x3FB1];
	_ =	sdelay $0x3  }
0x33: {  	p0 =	seq.s32 s10, $0x1;
	s10 =	sld [smem:$0x3FB3];
	_ =	sdelay $0x3  }
0x34: {  	[smem:$0x3FB3] =	sst s10  }
0x35: {  	s10 =	sld [smem:$0x3FB2];
	_ =	sdelay $0x3  }
0x36: {  	p1 =	seq.s32 s10, $0x1;
	s10 =	sld [smem:$0x3FB3];
	_ =	sdelay $0x3  }
0x37: {  	[smem:$0x3FB3] =	sst s10  }
0x38: {  	s10 =	sld [smem:$0x3FB4]  }
0x39: {  	_ = 	snop;
	(pc) =	sbr.ind lr, $3  }
0x3a: {  	_ = 	snop  }
0x3b: {  	_ = 	snop  }
0x3c: {  	p2 =	seq.s32 s10, $0x1;
	s10 =	sld [smem:$0x3FB3]  }
0x3d: {  	_ =	shalt  }
0x3e: {  	_ =	shalt  }
0x3f: {  	_ =	shalt  }
0x40: {  	_ =	shalt  }
0x41: {  	_ =	shalt  }
0x42: {  	_ =	shalt  }
0x43: {  	_ =	shalt  }
0x44: {  	_ =	shalt  }
0x45: {  	_ =	shalt  }
0x46: {  	_ =	shalt  }
0x47: {  	_ =	shalt  }
0x48: {  	_ =	shalt  }
0x49: {  	_ =	shalt  }
0x4a: {  	_ =	shalt  }
0x4b: {  	_ =	shalt  }
0x4c: {  	_ =	shalt  }
0x4d: {  	_ =	shalt  }
0x4e: {  	_ =	shalt  }
0x4f: {  	_ =	shalt  }
0x50: {  	_ =	shalt  }
0x51: {  	_ =	shalt  }
0x52: {  	_ =	shalt  }
0x53: {  	_ =	shalt  }
0x54: {  	_ =	shalt  }
0x55: {  	_ =	shalt  }
0x56: {  	_ =	shalt  }
0x57: {  	_ =	shalt  }
0x58: {  	_ =	shalt  }
0x59: {  	_ =	shalt  }
0x5a: {  	_ =	shalt  }
0x5b: {  	_ =	shalt  }
0x5c: {  	_ =	shalt  }
0x5d: {  	_ =	shalt  }
0x5e: {  	_ =	shalt  }
0x5f: {  	_ =	shalt  }
0x60: {  	_ =	shalt  }
0x61: {  	_ =	shalt  }
0x62: {  	_ =	shalt  }
0x63: {  	_ =	shalt  }
0x64: {  	_ =	shalt  }
0x65: {  	_ =	shalt  }
0x66: {  	_ =	shalt  }
0x67: {  	_ =	shalt  }
0x68: {  	_ =	shalt  }
0x69: {  	_ =	shalt  }
0x6a: {  	_ =	shalt  }
0x6b: {  	_ =	shalt  }
0x6c: {  	_ =	shalt  }
0x6d: {  	_ =	shalt  }
0x6e: {  	_ =	shalt  }
0x6f: {  	_ =	shalt  }
0x70: {  	_ =	shalt  }
0x71: {  	_ =	shalt  }
0x72: {  	_ =	shalt  }
0x73: {  	_ =	shalt  }
0x74: {  	_ =	shalt  }
0x75: {  	_ =	shalt  }
0x76: {  	_ =	shalt  }
0x77: {  	_ =	shalt  }
0x78: {  	_ =	shalt  }
0x79: {  	_ =	shalt  }
0x7a: {  	_ =	shalt  }
0x7b: {  	_ =	shalt  }
0x7c: {  	_ =	shalt  }
0x7d: {  	_ =	shalt  }
0x7e: {  	_ =	shalt  }
0x7f: {  	_ =	shalt  }
0x80: {  	_ =	shalt  }
0x81: {  	_ =	shalt  }
0x82: {  	_ =	shalt  }
0x83: {  	_ =	shalt  }
0x84: {  	_ =	shalt  }
0x85: {  	_ =	shalt  }
0x86: {  	_ =	shalt  }
0x87: {  	_ =	shalt  }
.Lfunc_end0:
.L_simem_size_0:
called_computation.1_lowered:
.L_overlay_start_0:
0x88: {  	s2 =	sld [smem:$0x3FD9]  }
0x89: {  	s3 =	sld [smem:$0x3FFE];
	_ =	sdelay $0x1  }
0x8a: {  	s1 =	srdreg.scid  }
0x8b: {  	s0 =	sand.u32 $0x1, s1  }
0x8c: {  	s16 =	sshll.u32 s0, $0xA;
	s2 =	sadd.s32 s3, s2  }
0x8d: {  	s2 =	sadd.s32 s2, s16  }
0x8e: {  	[smem:$0x3FBF] =	sst s2  }
0x8f: {  	_ = 	snop  }
0x90: {  	(tm) =	ssettm $0x1  }
0x91: {  	s17 =	sld [smem:$0x3FFB];
	_ =	sdelay $0x3  }
0x92: {  	_ =	strace s17  }
0x93: {  	s2 =	sld [smem:$0x3FFC];
	_ =	sdelay $0x3  }
0x94: {  	_ =	strace s2  }
0x95: {  	s2 =	sld [smem:$0x3FFD];
	_ =	sdelay $0x3  }
0x96: {  	_ =	strace s2  }
0x97: {  	_ =	strace $0x8FFFFFFF  }
0x98: {  	s18 =	sld [smem:$0x3FDB];
	_ =	sdelay $0x1  }
0x99: {  	s19 =	simm.s32 $_scs_section_size  }
0x9a: {  	s4 =	simm.s32 $_size__tile_overlayer_lowered;
	s5 =	simm.s32 $_tile_overlayer_lowered  }
0x9b: {  	s22 =	simm.s32 $0x1BFF;
	s21 =	sshll.u32 s5, $0x1;
	s2 =	sadd.s32 s19, s18  }
0x9c: {  	s6 =	simm.s32 $0x0;
	s20 =	sshll.u32 s4, $0x1;
	s4 =	sadd.s32 s21, s2  }
0x9d: {  	[timem:s6], [sflag:s22] =	dma.local [hbm:s4], s20  }
0x9e: {  	_ =	swait.ge [sflag:s22], s20  }
0x9f: {  	s3 =	ssub.s32 $0x0, s20;
	[sflag:s22] =	ssyncset.done $0x0  }
0xa0: {  	[sflag:s22] =	ssyncadd.s32 s3;
	_ =	sdelay $0x1  }
0xa1: {  	s23 =	simm.s32 $0x1B8B  }
0xa2: {  	_ =	swait.ge [sflag:s23], $0x1  }
0xa3: {  	[sflag:s23] =	ssyncset.done $0x0  }
0xa4: {  	s25 =	simm.s32 $0x1B8E;
	s24 =	sld [smem:$0x3FFE];
	[sflag:s23] =	ssyncadd.s32 $0xFFFFFFFF  }
0xa5: {  	s26 =	simm.s32 $execute0_lowered;
	[smem:$0x3FD2] =	sst s25  }
0xa6: {  	s4 =	sshll.u32 s26, $0x1;
	_ =	strace $0x80000049;
	[dreg:$0x1] =	wrdreg $0xFFFFFFFF  }
0xa7: {  	s28 =	simm.s32 $_size_execute0_lowered;
	s2 =	sadd.s32 s2, s4;
	[dreg:$0x0] =	wrdreg $0x0  }
0xa8: {  	s4 =	sshll.u32 s28, $0x1;
	[dreg:$0x2] =	wrdreg s2  }
0xa9: {  	[dreg:$0x3] =	wrdreg s4  }
0xaa: {  	[dreg:$0x4] =	wrdreg $0xC0  }
0xab: {  	_ =	task [dreg:s6], $0x5FFFF  }
0xac: {  	[dreg:$0x1] =	wrdreg $0xFFFFFFFF  }
0xad: {  	[dreg:$0x0] =	wrdreg $0x60  }
0xae: {  	[dreg:$0x2] =	wrdreg s24  }
0xaf: {  	[dreg:$0x3] =	wrdreg $0x9  }
0xb0: {  	_ =	task.clear_ibuf [dreg:s6], $0x4FFFF;
	_ =	strace $0x90000049  }
0xb1: {  	s29 =	simm.s32 $0x9;
	_ =	strace $0x8000004B  }
0xb2: {  	_ =	swait.ge [sflag:s29], $0x1  }
0xb3: {  	[sflag:s29] =	ssyncadd.s32 $0xFFFFFFFF  }
0xb4: {  	_ =	strace $0x9000004B  }
0xb5: {  	_ =	sfence  }
0xb6: {  	s30 =	sld [smem:$0x0];
	_ =	sdelay $0x2  }
0xb7: {  	s31 =	sshll.u32 s1, $0xD;
	s1 =	sshrl.u32 s1, $0x2  }
0xb8: {  	s3 =	sand.u32 $0x4000, s31;
	s1 =	sadd.s32 s1, s30  }
0xb9: {  	s0 =	sor.u32 s3, s0;
	s1 =	sshll.u32 s1, $0x11  }
0xba: {  	s0 =	sor.u32 s1, s0  }
0xbb: {  	s0 =	sadd.s32 $0x8F2B, s0  }
0xbc: {  	[sflag:s0] =	ssyncadd.remote.s32 $0x1  }
0xbd: {  	_ =	sfence.sel $0xFFFF  }
0xbe: {  	[dreg:$0x0] =	wrdreg $0xFFFFFFFF;
	(pc) =	sbr.abs _section_cstart, $3  }
0xbf: {  	[dreg:$0x1] =	wrdreg $0xFFFFFFFF  }
0xc0: {  	_ =	task.clear_ibuf [dreg:s6], $0x2FFFF;
	_ =	strace $0x9FFFFFFF  }
0xc1: {  	(tm) =	ssettm $0x7FFFFFFF  }
tec
execute0_lowered:
.L_overlay_start_1:
0x0: {  	(tag) =	ssettag $0x1  }
0x1: {  	s1 =	srdreg.scid  }
0x2: {  	s0 =	stileid.u32;
	s4 =	rddreg [dreg:$0x0];
	s2 =	simm.s32 $0x0  }
0x3: {  	s11 =	simm.s32 $0x80;
	s12 =	simm.s32 $0x100;
	s13 =	simm.s32 $0x900  }
0x4: {  	s14 =	simm.s32 $0x1100;
	s15 =	simm.s32 $0x1900;
	s16 =	simm.s32 $0x2100  }
0x5: {  	s17 =	simm.s32 $0x2900;
	s18 =	simm.s32 $0x3100;
	s19 =	simm.s32 $0x3900  }
0x6: {  	s20 =	simm.s32 $0x4100;
	s21 =	simm.s32 $0x4900;
	s22 =	simm.s32 $0x5100  }
0x7: {  	s23 =	simm.s32 $0x5900;
	s24 =	simm.s32 $0x6100;
	s28 =	simm.s32 $0x7900  }
0x8: {  	s29 =	simm.s32 $0x1;
	s30 =	simm.s32 $0x3;
	s31 =	simm.s32 $0x2  }
0x9: {  	s1 =	sand.u32 $0x1, s1;
	s5 =	sshll.u32 s0, $0x6;
	[smem:$0x7FF] =	sst s2  }
0xa: {  	s7 =	sadd.s32 $0x62200, s4;
	s3 =	sshll.u32 s1, $0xA;
	s1 =	ssub.s32 $0x2, s1  }
0xb: {  	s9 =	sadd.s32 $0x82200, s4;
	s5 =	sor.u32 s5, s3;
	s8 =	sshrl.u32 s1, $0x1  }
0xc: {  	_ =	strace $0x8000004A;
	s3 =	sshrl.u32 s5, $0x3;
	s1 =	ssub.s32 s1, s8  }
0xd: {  	s26 =	sshll.u32 s5, $0x6;
	s6 =	sadd.s32 s3, s4;
	s3 =	sadd.s32 $0x1A00, s4  }
0xe: {  	s4 =	sadd.s32 $0x1B00, s4;
	s10 =	sor.u32 $0x800, s26;
	s25 =	sadd.s32 $0x61E00, s6  }
0xf: {  	s5 =	sadd.s32 s7, s26;
	s6 =	sadd.s32 $0x62000, s6;
	[dreg:$0x2] =	wrdreg s25  }
0x10: {  	v2 =	vlaneseq.u32;
	s8 =	sadd.s32 s9, s10;
	[dreg:$0x3] =	wrdreg s6;
	s6 =	sadd.s32 s7, s10  }
0x11: {  	vm0 =	vmmov $0xffff;
	v1 =	vshrl.u32 v2, $0x3;
	s7 =	sadd.s32 s9, s26;
	s9 =	smax.u32 s1, $0x1;
	s10 =	simm.s32 $0x5  }
0x12: {  	v0 =	vand.u32 $0x7, v2;
	v2 =	vor.u32 $0x8, v2;
	v1 =	vmul.u32 $0x8, v1;
	s25 =	simm.s32 $0x6900;
	s26 =	simm.s32 $0x7100;
	s1 =	simm.s32 $0x4  }
.LBB2_1:
0x13: {  	s0 =	rddreg [dreg:$0x2]  }
0x14: {  	[tilespmem:s2], [sflag:$0x5] =	stream.linear.gather [hbm4b:s0+s2], $0x40, $0x38;
	[tilespmem:$0x8100] =	vst v63  }
0x15: {  	_ =	swait.ge [sflag:s10], $0x40  }
0x16: {  	[sflag:s10] =	ssyncset.done $0x0  }
0x17: {  	s0 =	rddreg [dreg:$0x3];
	[sflag:s10] =	ssyncadd.s32 $0xFFFFFFC0  }
0x18: {  	[tilespmem:s11], [sflag:$0x5] =	stream.linear.gather [hbm4b:s0+s2], $0x40, $0x38;
	[tilespmem:$0x8100] =	vst v63  }
0x19: {  	_ =	swait.ge [sflag:s10], $0x40  }
0x1a: {  	[sflag:s10] =	ssyncset.done $0x0  }
0x1b: {  	[sflag:s10] =	ssyncadd.s32 $0xFFFFFFC0  }
0x1c: {  	v3 =	vld [tilespmem:$0x0];
	_ =	sdelay $0x4  }
0x1d: {  	v4 =	vshll.u32 v3, $0x2  }
0x1e: {  	v3 =	vand.u32 $0x7, v3;
	v4 =	vand.u32 $0xFFFFFFE0, v4  }
0x1f: {  	v3 =	vor.u32 v3, v4  }
0x20: {  	v4 =	vperm.xlane v3, v0;
	_ =	sdelay $0x1  }
0x21: {  	v4 =	vadd.s32 v1, v4;
	_ =	sdelay $0x1  }
0x22: {  	v3 =	vperm.xlane v3, v2;
	_ =	sdelay $0x1  }
0x23: {  	v3 =	vadd.s32 v1, v3  }
0x24: {  	[tilespmem:s12], [sflag:$0x1] =	stream.indirect_vreg.gather [hbm4b:s3+s2], $0x80, v4, vm0, $0xb8;
	[tilespmem:$0x8100] =	vst v63  }
0x25: {  	_ = 	snop  }
0x26: {  	[tilespmem:s13], [sflag:$0x1] =	stream.indirect_vreg.gather [hbm4b:s4+s2], $0x80, v4, vm0, $0xb8;
	[tilespmem:$0x8100] =	vst v63  }
0x27: {  	_ = 	snop  }
0x28: {  	[tilespmem:s14], [sflag:$0x1] =	stream.indirect_vreg.gather [hbm4b:s3+s2], $0x80, v3, vm0, $0xb8;
	[tilespmem:$0x8100] =	vst v63  }
0x29: {  	_ = 	snop  }
0x2a: {  	[tilespmem:s15], [sflag:$0x1] =	stream.indirect_vreg.gather [hbm4b:s4+s2], $0x80, v3, vm0, $0xb8;
	[tilespmem:$0x8100] =	vst v63  }
0x2b: {  	v3 =	vld [tilespmem:$0x10];
	_ =	sdelay $0x4  }
0x2c: {  	v57 =	vshll.u32 v3, $0x2  }
0x2d: {  	v3 =	vand.u32 $0x7, v3;
	v4 =	vand.u32 $0xFFFFFFE0, v57  }
0x2e: {  	v3 =	vor.u32 v3, v4  }
0x2f: {  	v4 =	vperm.xlane v3, v0;
	_ =	sdelay $0x1  }
0x30: {  	v4 =	vadd.s32 v1, v4;
	_ =	sdelay $0x1  }
0x31: {  	v3 =	vperm.xlane v3, v2;
	_ =	sdelay $0x1  }
0x32: {  	v3 =	vadd.s32 v1, v3  }
0x33: {  	[tilespmem:s16], [sflag:$0x1] =	stream.indirect_vreg.gather [hbm4b:s3+s2], $0x80, v4, vm0, $0xb8;
	[tilespmem:$0x8100] =	vst v63  }
0x34: {  	_ = 	snop  }
0x35: {  	[tilespmem:s17], [sflag:$0x1] =	stream.indirect_vreg.gather [hbm4b:s4+s2], $0x80, v4, vm0, $0xb8;
	[tilespmem:$0x8100] =	vst v63  }
0x36: {  	_ = 	snop  }
0x37: {  	[tilespmem:s18], [sflag:$0x1] =	stream.indirect_vreg.gather [hbm4b:s3+s2], $0x80, v3, vm0, $0xb8;
	[tilespmem:$0x8100] =	vst v63  }
0x38: {  	_ = 	snop  }
0x39: {  	[tilespmem:s19], [sflag:$0x1] =	stream.indirect_vreg.gather [hbm4b:s4+s2], $0x80, v3, vm0, $0xb8;
	[tilespmem:$0x8100] =	vst v63  }
0x3a: {  	v3 =	vld [tilespmem:$0x20];
	_ =	sdelay $0x4  }
0x3b: {  	v58 =	vshll.u32 v3, $0x2  }
0x3c: {  	v3 =	vand.u32 $0x7, v3;
	v4 =	vand.u32 $0xFFFFFFE0, v58  }
0x3d: {  	v3 =	vor.u32 v3, v4  }
0x3e: {  	v4 =	vperm.xlane v3, v0;
	_ =	sdelay $0x1  }
0x3f: {  	v4 =	vadd.s32 v1, v4;
	_ =	sdelay $0x1  }
0x40: {  	v3 =	vperm.xlane v3, v2;
	_ =	sdelay $0x1  }
0x41: {  	v3 =	vadd.s32 v1, v3  }
0x42: {  	[tilespmem:s20], [sflag:$0x2] =	stream.indirect_vreg.gather [hbm4b:s3+s2], $0x80, v4, vm0, $0xb8;
	[tilespmem:$0x8100] =	vst v63  }
0x43: {  	_ = 	snop  }
0x44: {  	[tilespmem:s21], [sflag:$0x2] =	stream.indirect_vreg.gather [hbm4b:s4+s2], $0x80, v4, vm0, $0xb8;
	[tilespmem:$0x8100] =	vst v63  }
0x45: {  	_ = 	snop  }
0x46: {  	[tilespmem:s22], [sflag:$0x2] =	stream.indirect_vreg.gather [hbm4b:s3+s2], $0x80, v3, vm0, $0xb8;
	[tilespmem:$0x8100] =	vst v63  }
0x47: {  	_ = 	snop  }
0x48: {  	[tilespmem:s23], [sflag:$0x2] =	stream.indirect_vreg.gather [hbm4b:s4+s2], $0x80, v3, vm0, $0xb8;
	[tilespmem:$0x8100] =	vst v63  }
0x49: {  	v3 =	vld [tilespmem:$0x30];
	_ =	sdelay $0x4  }
0x4a: {  	v59 =	vshll.u32 v3, $0x2  }
0x4b: {  	v3 =	vand.u32 $0x7, v3;
	v4 =	vand.u32 $0xFFFFFFE0, v59  }
0x4c: {  	v3 =	vor.u32 v3, v4  }
0x4d: {  	v4 =	vperm.xlane v3, v0;
	_ =	sdelay $0x1  }
0x4e: {  	v4 =	vadd.s32 v1, v4;
	_ =	sdelay $0x1  }
0x4f: {  	v3 =	vperm.xlane v3, v2;
	_ =	sdelay $0x1  }
0x50: {  	v3 =	vadd.s32 v1, v3  }
0x51: {  	[tilespmem:s24], [sflag:$0x2] =	stream.indirect_vreg.gather [hbm4b:s3+s2], $0x80, v4, vm0, $0xb8;
	[tilespmem:$0x8100] =	vst v63  }
0x52: {  	_ = 	snop  }
0x53: {  	[tilespmem:s25], [sflag:$0x2] =	stream.indirect_vreg.gather [hbm4b:s4+s2], $0x80, v4, vm0, $0xb8;
	[tilespmem:$0x8100] =	vst v63  }
0x54: {  	_ = 	snop  }
0x55: {  	[tilespmem:s26], [sflag:$0x2] =	stream.indirect_vreg.gather [hbm4b:s3+s2], $0x80, v3, vm0, $0xb8;
	[tilespmem:$0x8100] =	vst v63  }
0x56: {  	_ = 	snop  }
0x57: {  	[tilespmem:s28], [sflag:$0x2] =	stream.indirect_vreg.gather [hbm4b:s4+s2], $0x80, v3, vm0, $0xb8;
	[tilespmem:$0x8100] =	vst v63  }
0x58: {  	_ =	swait.ge [sflag:s29], $0x4000  }
0x59: {  	[sflag:s29] =	ssyncset.done $0x0  }
0x5a: {  	[sflag:s29] =	ssyncadd.s32 $0xFFFFC000  }
0x5b: {  	[hbm4b:s5+s2] =	stream.linear.scatter [tilespmem:s12], [sflag:$0x3], $0x4000, $0x38;
	[tilespmem:$0x8100] =	vst v63  }
0x5c: {  	_ =	swait.ge [sflag:s30], $0x4000  }
0x5d: {  	[sflag:s30] =	ssyncset.done $0x0  }
0x5e: {  	[sflag:s30] =	ssyncadd.s32 $0xFFFFC000  }
0x5f: {  	v3 =	vld [tilespmem:$0x80];
	_ =	sdelay $0x4  }
0x60: {  	v60 =	vshll.u32 v3, $0x2  }
0x61: {  	v3 =	vand.u32 $0x7, v3;
	v4 =	vand.u32 $0xFFFFFFE0, v60  }
0x62: {  	v3 =	vor.u32 v3, v4  }
0x63: {  	v4 =	vperm.xlane v3, v0;
	_ =	sdelay $0x1  }
0x64: {  	v4 =	vadd.s32 v1, v4;
	_ =	sdelay $0x1  }
0x65: {  	v3 =	vperm.xlane v3, v2;
	_ =	sdelay $0x1  }
0x66: {  	v3 =	vadd.s32 v1, v3  }
0x67: {  	[tilespmem:s12], [sflag:$0x1] =	stream.indirect_vreg.gather [hbm4b:s3+s2], $0x80, v4, vm0, $0xb8;
	[tilespmem:$0x8100] =	vst v63  }
0x68: {  	_ = 	snop  }
0x69: {  	[tilespmem:s13], [sflag:$0x1] =	stream.indirect_vreg.gather [hbm4b:s4+s2], $0x80, v4, vm0, $0xb8;
	[tilespmem:$0x8100] =	vst v63  }
0x6a: {  	_ = 	snop  }
0x6b: {  	[tilespmem:s14], [sflag:$0x1] =	stream.indirect_vreg.gather [hbm4b:s3+s2], $0x80, v3, vm0, $0xb8;
	[tilespmem:$0x8100] =	vst v63  }
0x6c: {  	_ = 	snop  }
0x6d: {  	[tilespmem:s15], [sflag:$0x1] =	stream.indirect_vreg.gather [hbm4b:s4+s2], $0x80, v3, vm0, $0xb8;
	[tilespmem:$0x8100] =	vst v63  }
0x6e: {  	v3 =	vld [tilespmem:$0x90];
	_ =	sdelay $0x4  }
0x6f: {  	v61 =	vshll.u32 v3, $0x2  }
0x70: {  	v3 =	vand.u32 $0x7, v3;
	v4 =	vand.u32 $0xFFFFFFE0, v61  }
0x71: {  	v3 =	vor.u32 v3, v4  }
0x72: {  	v4 =	vperm.xlane v3, v0;
	_ =	sdelay $0x1  }
0x73: {  	v4 =	vadd.s32 v1, v4;
	_ =	sdelay $0x1  }
0x74: {  	v3 =	vperm.xlane v3, v2;
	_ =	sdelay $0x1  }
0x75: {  	v3 =	vadd.s32 v1, v3  }
0x76: {  	[tilespmem:s16], [sflag:$0x1] =	stream.indirect_vreg.gather [hbm4b:s3+s2], $0x80, v4, vm0, $0xb8;
	[tilespmem:$0x8100] =	vst v63  }
0x77: {  	_ = 	snop  }
0x78: {  	[tilespmem:s17], [sflag:$0x1] =	stream.indirect_vreg.gather [hbm4b:s4+s2], $0x80, v4, vm0, $0xb8;
	[tilespmem:$0x8100] =	vst v63  }
0x79: {  	_ = 	snop  }
0x7a: {  	[tilespmem:s18], [sflag:$0x1] =	stream.indirect_vreg.gather [hbm4b:s3+s2], $0x80, v3, vm0, $0xb8;
	[tilespmem:$0x8100] =	vst v63  }
0x7b: {  	_ = 	snop  }
0x7c: {  	[tilespmem:s19], [sflag:$0x1] =	stream.indirect_vreg.gather [hbm4b:s4+s2], $0x80, v3, vm0, $0xb8;
	[tilespmem:$0x8100] =	vst v63  }
0x7d: {  	_ =	swait.ge [sflag:s31], $0x4000  }
0x7e: {  	[sflag:s31] =	ssyncset.done $0x0  }
0x7f: {  	[sflag:s31] =	ssyncadd.s32 $0xFFFFC000  }
0x80: {  	[hbm4b:s6+s2] =	stream.linear.scatter [tilespmem:s20], [sflag:$0x4], $0x4000, $0x38;
	[tilespmem:$0x8100] =	vst v63  }
0x81: {  	_ =	swait.ge [sflag:s1], $0x4000  }
0x82: {  	[sflag:s1] =	ssyncset.done $0x0  }
0x83: {  	[sflag:s1] =	ssyncadd.s32 $0xFFFFC000  }
0x84: {  	v3 =	vld [tilespmem:$0xA0];
	_ =	sdelay $0x4  }
0x85: {  	v62 =	vshll.u32 v3, $0x2  }
0x86: {  	v3 =	vand.u32 $0x7, v3;
	v4 =	vand.u32 $0xFFFFFFE0, v62  }
0x87: {  	v3 =	vor.u32 v3, v4  }
0x88: {  	v4 =	vperm.xlane v3, v0;
	_ =	sdelay $0x1  }
0x89: {  	v4 =	vadd.s32 v1, v4;
	_ =	sdelay $0x1  }
0x8a: {  	v3 =	vperm.xlane v3, v2;
	_ =	sdelay $0x1  }
0x8b: {  	v3 =	vadd.s32 v1, v3  }
0x8c: {  	[tilespmem:s20], [sflag:$0x2] =	stream.indirect_vreg.gather [hbm4b:s3+s2], $0x80, v4, vm0, $0xb8;
	[tilespmem:$0x8100] =	vst v63  }
0x8d: {  	_ = 	snop  }
0x8e: {  	[tilespmem:s21], [sflag:$0x2] =	stream.indirect_vreg.gather [hbm4b:s4+s2], $0x80, v4, vm0, $0xb8;
	[tilespmem:$0x8100] =	vst v63  }
0x8f: {  	_ = 	snop  }
0x90: {  	[tilespmem:s22], [sflag:$0x2] =	stream.indirect_vreg.gather [hbm4b:s3+s2], $0x80, v3, vm0, $0xb8;
	[tilespmem:$0x8100] =	vst v63  }
0x91: {  	_ = 	snop  }
0x92: {  	[tilespmem:s23], [sflag:$0x2] =	stream.indirect_vreg.gather [hbm4b:s4+s2], $0x80, v3, vm0, $0xb8;
	[tilespmem:$0x8100] =	vst v63  }
0x93: {  	v3 =	vld [tilespmem:$0xB0];
	_ =	sdelay $0x4  }
0x94: {  	v63 =	vshll.u32 v3, $0x2  }
0x95: {  	v3 =	vand.u32 $0x7, v3;
	v4 =	vand.u32 $0xFFFFFFE0, v63  }
0x96: {  	v3 =	vor.u32 v3, v4  }
0x97: {  	v4 =	vperm.xlane v3, v0;
	_ =	sdelay $0x1  }
0x98: {  	v4 =	vadd.s32 v1, v4;
	_ =	sdelay $0x1  }
0x99: {  	v3 =	vperm.xlane v3, v2;
	_ =	sdelay $0x1  }
0x9a: {  	v3 =	vadd.s32 v1, v3  }
0x9b: {  	[tilespmem:s24], [sflag:$0x2] =	stream.indirect_vreg.gather [hbm4b:s3+s2], $0x80, v4, vm0, $0xb8;
	[tilespmem:$0x8100] =	vst v63  }
0x9c: {  	_ = 	snop  }
0x9d: {  	[tilespmem:s25], [sflag:$0x2] =	stream.indirect_vreg.gather [hbm4b:s4+s2], $0x80, v4, vm0, $0xb8;
	[tilespmem:$0x8100] =	vst v63  }
0x9e: {  	_ = 	snop  }
0x9f: {  	[tilespmem:s26], [sflag:$0x2] =	stream.indirect_vreg.gather [hbm4b:s3+s2], $0x80, v3, vm0, $0xb8;
	[tilespmem:$0x8100] =	vst v63  }
0xa0: {  	_ = 	snop  }
0xa1: {  	[tilespmem:s28], [sflag:$0x2] =	stream.indirect_vreg.gather [hbm4b:s4+s2], $0x80, v3, vm0, $0xb8;
	[tilespmem:$0x8100] =	vst v63  }
0xa2: {  	_ =	swait.ge [sflag:s29], $0x4000  }
0xa3: {  	[sflag:s29] =	ssyncset.done $0x0  }
0xa4: {  	[sflag:s29] =	ssyncadd.s32 $0xFFFFC000  }
0xa5: {  	[hbm4b:s7+s2] =	stream.linear.scatter [tilespmem:s12], [sflag:$0x3], $0x4000, $0x38;
	[tilespmem:$0x8100] =	vst v63  }
0xa6: {  	_ =	swait.ge [sflag:s31], $0x4000  }
0xa7: {  	[sflag:s31] =	ssyncset.done $0x0  }
0xa8: {  	[sflag:s31] =	ssyncadd.s32 $0xFFFFC000  }
0xa9: {  	[hbm4b:s8+s2] =	stream.linear.scatter [tilespmem:s20], [sflag:$0x4], $0x4000, $0x38;
	[tilespmem:$0x8100] =	vst v63  }
0xaa: {  	p0 =	sne.s32 s9, $0x1;
	_ =	swait.ge [sflag:s30], $0x4000  }
.Ltmp0:
0xab: {  	[sflag:s30] =	ssyncset.done $0x0;
	(pc) =	sbr.rel @p0 .LBB2_1-.Ltmp0, $4  }
0xac: {  	[sflag:s30] =	ssyncadd.s32 $0xFFFFC000  }
0xad: {  	_ =	swait.ge [sflag:s1], $0x4000  }
0xae: {  	[sflag:s1] =	ssyncset.done $0x0  }
0xaf: {  	s9 =	sadd.s32 $0xFFFFFFFF, s9;
	[sflag:s1] =	ssyncadd.s32 $0xFFFFC000  }
0xb0: {  	_ =	sfence.sel $0x180000  }
0xb1: {  	[bflag:$0x0] =	sbarrier.arrive $0xFFFF  }
0xb2: {  	_ =	strace $0x9000004A  }
0xb3: {  	s0 =	stileid.u32;
	[bflag:$0x2] =	sbarrier.arrive $0xFFFF  }
0xb4: {  	p0 =	sne.s32 s0, $0x0;
	s0 =	rddreg [dreg:$0x1]  }
0xb5: {  	s0 =	sadd.s32 @!p0 $0x100000, s0  }
0xb6: {  	[sflag:s0] =	ssyncadd.tile.s32 @!p0 $0x1;
	_ =	shalt  }
.Lfunc_end2:
_tile_overlayer_lowered:
.L_overlay_start_2:
0xb7: {  	(tag) =	ssettag $0x2  }
0xb8: {  	s0 =	rddreg [dreg:$0x0];
	s2 =	stileid.u32  }
0xb9: {  	s1 =	rddreg [dreg:$0x1];
	p0 =	sne.s32 s2, $0x0  }
0xba: {  	s3 =	rddreg [dreg:$0x2];
	[bflag:$0x3] =	sbarrier.arrive $0xFFFF;
	s2 =	simm.s32 @!p0 $0x1C05  }
0xbb: {  	[timem:s3], [sflag:s2] =	dma.local @!p0 [hbm:s0], s1  }
0xbc: {  	s0 =	simm.s32 @!p0 $0x5  }
0xbd: {  	_ =	swait.ge @!p0 [sflag:s0], s1  }
0xbe: {  	s1 =	ssub.s32 @!p0 $0x0, s1;
	[sflag:s0] =	ssyncset.done @!p0 $0x0  }
0xbf: {  	[sflag:s0] =	ssyncadd.s32 @!p0 s1  }
0xc0: {  	[bflag:$0x3] =	sbarrier.arrive $0xFFFF  }
0xc1: {  	_ =	shalt  }

// kernel: _run.8.cloned.1.call-start
scs
__scs_entry_jumppad:
0x0: {  	(pc) =	sbr.rel $0x88, $3  }
0x1: {  	(tag) =	ssettag $0x0;
	lr =	simm.s32 $0x1  }
0x2: {  	[smem:$0x3F98] =	sst lr;
	_ =	strace $0xD0000000  }
0x3: {  	_ = 	snop  }
0x4: {  	_ = 	snop  }
0x5: {  	_ = 	snop  }
0x6: {  	_ = 	snop  }
0x7: {  	_ = 	snop  }
__scs_overlays_trampoline_lowered:
0x8: {  	[smem:$0x3FA7] =	sst s0  }
0x9: {  	[smem:$0x3FA8] =	sst s1  }
0xa: {  	[smem:$0x3FA9] =	sst s2  }
0xb: {  	[smem:$0x3FAA] =	sst s3  }
0xc: {  	[smem:$0x3FAB] =	sst s4  }
0xd: {  	[smem:$0x3FAC] =	sst s5  }
0xe: {  	[smem:$0x3FAD] =	sst s6  }
0xf: {  	[smem:$0x3FAE] =	sst s7  }
0x10: {  	[smem:$0x3FAF] =	sst s8  }
0x11: {  	[smem:$0x3FB0] =	sst s9;
	s0 =	simm.s32 @!p0 $0x0  }
0x12: {  	s1 =	sld [smem:$0x3F96];
	s0 =	simm.s32 @p0 $0x1  }
0x13: {  	[smem:$0x3FB1] =	sst s0;
	s0 =	simm.s32 @!p1 $0x0  }
0x14: {  	s2 =	sld [smem:$0x3F95];
	s0 =	simm.s32 @p1 $0x1  }
0x15: {  	[smem:$0x3FB2] =	sst s0;
	s0 =	simm.s32 @!p2 $0x0  }
0x16: {  	s3 =	sld [smem:$0x3FDB];
	s0 =	simm.s32 @p2 $0x1  }
0x17: {  	s4 =	simm.s32 $0x1BF5;
	[smem:$0x3FB4] =	sst s0  }
0x18: {  	s0 =	sld [smem:$0x3F97];
	_ =	swait.ge [sflag:s4], $0x0  }
0x19: {  	s7 =	sld [smem:$0x3F98]  }
0x1a: {  	s8 =	sadd.s32 $0xFFFFE003, lr  }
0x1b: {  	s9 =	sadd.s32 $0xFFFFFEF7, lr;
	s5 =	simm.s32 $0xFFFFFFFF;
	p2 =	slt.u32 s8, $0xFFFFF086  }
0x1c: {  	p1 =	slt.u32 s9, $0xF7A;
	s5 =	simm.s32 @!p2 $0x0  }
0x1d: {  	s5 =	simm.s32 @p1 $0x1;
	p0 =	seq.s32 s7, s2  }
0x1e: {  	s7 =	smul.u32 @!p0 $0xF7A, s2;
	p2 =	seq.s32 @!p0 s5, $0x0  }
0x1f: {  	s9 =	smul.u32 $0xF7A, s1;
	s8 =	simm.s32 @!p0 $0x1BF5;
	p2 =	por !p2, p0  }
0x20: {  	[sflag:s8] =	ssyncset.s32 @!p0 $0xFFFFF086;
	s6 =	sadd.s32 @!p0 s3, s7;
	s7 =	simm.s32 @!p0 $0x108  }
0x21: {  	s3 =	sadd.s32 s3, s9;
	s6 =	sadd.s32 @!p0 $0x88, s6;
	s7 =	simm.s32 @p2 $0x1082  }
0x22: {  	[simem:s7], [sflag:s8] =	dma.local @!p0 [hbm:s6], $0xF7A  }
0x23: {  	s9 =	sor.u32 $0xD0000000, s2;
	s6 =	simm.s32 $0x108;
	_ =	swait.ge @!p0 [sflag:s8], $0x0  }
0x24: {  	s3 =	sadd.s32 $0x88, s3;
	s6 =	simm.s32 @!p1 $0x1082;
	[sflag:s4] =	ssyncset.s32 $0xFFFFF086  }
0x25: {  	[simem:s6], [sflag:s4] =	dma.local [hbm:s3], $0xF7A  }
0x26: {  	[smem:$0x3F98] =	sst s1;
	(tag) =	ssettag s2;
	_ =	strace s9  }
0x27: {  	s1 =	sld [smem:$0x3FA8]  }
0x28: {  	s2 =	sld [smem:$0x3FA9]  }
0x29: {  	s4 =	sld [smem:$0x3FAB]  }
0x2a: {  	p0 =	seq.s32 s5, $0x0;
	s5 =	sld [smem:$0x3FAC]  }
0x2b: {  	s6 =	sld [smem:$0x3FAD]  }
0x2c: {  	s7 =	sld [smem:$0x3FAE]  }
0x2d: {  	s3 =	simm.s32 $0x108;
	s8 =	sld [smem:$0x3FAF]  }
0x2e: {  	s3 =	simm.s32 @!p0 $0x1082;
	s9 =	sld [smem:$0x3FB0]  }
0x2f: {  	lr =	sadd.s32 s0, s3;
	s0 =	sld [smem:$0x3FA7]  }
0x30: {  	s3 =	sld [smem:$0x3FAA]  }
0x31: {  	[smem:$0x3FB3] =	sst s10  }
0x32: {  	s10 =	sld [smem:$0x3FB1];
	_ =	sdelay $0x3  }
0x33: {  	p0 =	seq.s32 s10, $0x1;
	s10 =	sld [smem:$0x3FB3];
	_ =	sdelay $0x3  }
0x34: {  	[smem:$0x3FB3] =	sst s10  }
0x35: {  	s10 =	sld [smem:$0x3FB2];
	_ =	sdelay $0x3  }
0x36: {  	p1 =	seq.s32 s10, $0x1;
	s10 =	sld [smem:$0x3FB3];
	_ =	sdelay $0x3  }
0x37: {  	[smem:$0x3FB3] =	sst s10  }
0x38: {  	s10 =	sld [smem:$0x3FB4]  }
0x39: {  	_ = 	snop;
	(pc) =	sbr.ind lr, $3  }
0x3a: {  	_ = 	snop  }
0x3b: {  	_ = 	snop  }
0x3c: {  	p2 =	seq.s32 s10, $0x1;
	s10 =	sld [smem:$0x3FB3]  }
0x3d: {  	_ =	shalt  }
0x3e: {  	_ =	shalt  }
0x3f: {  	_ =	shalt  }
0x40: {  	_ =	shalt  }
0x41: {  	_ =	shalt  }
0x42: {  	_ =	shalt  }
0x43: {  	_ =	shalt  }
0x44: {  	_ =	shalt  }
0x45: {  	_ =	shalt  }
0x46: {  	_ =	shalt  }
0x47: {  	_ =	shalt  }
0x48: {  	_ =	shalt  }
0x49: {  	_ =	shalt  }
0x4a: {  	_ =	shalt  }
0x4b: {  	_ =	shalt  }
0x4c: {  	_ =	shalt  }
0x4d: {  	_ =	shalt  }
0x4e: {  	_ =	shalt  }
0x4f: {  	_ =	shalt  }
0x50: {  	_ =	shalt  }
0x51: {  	_ =	shalt  }
0x52: {  	_ =	shalt  }
0x53: {  	_ =	shalt  }
0x54: {  	_ =	shalt  }
0x55: {  	_ =	shalt  }
0x56: {  	_ =	shalt  }
0x57: {  	_ =	shalt  }
0x58: {  	_ =	shalt  }
0x59: {  	_ =	shalt  }
0x5a: {  	_ =	shalt  }
0x5b: {  	_ =	shalt  }
0x5c: {  	_ =	shalt  }
0x5d: {  	_ =	shalt  }
0x5e: {  	_ =	shalt  }
0x5f: {  	_ =	shalt  }
0x60: {  	_ =	shalt  }
0x61: {  	_ =	shalt  }
0x62: {  	_ =	shalt  }
0x63: {  	_ =	shalt  }
0x64: {  	_ =	shalt  }
0x65: {  	_ =	shalt  }
0x66: {  	_ =	shalt  }
0x67: {  	_ =	shalt  }
0x68: {  	_ =	shalt  }
0x69: {  	_ =	shalt  }
0x6a: {  	_ =	shalt  }
0x6b: {  	_ =	shalt  }
0x6c: {  	_ =	shalt  }
0x6d: {  	_ =	shalt  }
0x6e: {  	_ =	shalt  }
0x6f: {  	_ =	shalt  }
0x70: {  	_ =	shalt  }
0x71: {  	_ =	shalt  }
0x72: {  	_ =	shalt  }
0x73: {  	_ =	shalt  }
0x74: {  	_ =	shalt  }
0x75: {  	_ =	shalt  }
0x76: {  	_ =	shalt  }
0x77: {  	_ =	shalt  }
0x78: {  	_ =	shalt  }
0x79: {  	_ =	shalt  }
0x7a: {  	_ =	shalt  }
0x7b: {  	_ =	shalt  }
0x7c: {  	_ =	shalt  }
0x7d: {  	_ =	shalt  }
0x7e: {  	_ =	shalt  }
0x7f: {  	_ =	shalt  }
0x80: {  	_ =	shalt  }
0x81: {  	_ =	shalt  }
0x82: {  	_ =	shalt  }
0x83: {  	_ =	shalt  }
0x84: {  	_ =	shalt  }
0x85: {  	_ =	shalt  }
0x86: {  	_ =	shalt  }
0x87: {  	_ =	shalt  }
.Lfunc_end0:
.L_simem_size_0:
called_computation_lowered:
.L_overlay_start_0:
0x88: {  	s2 =	sld [smem:$0x3FD9]  }
0x89: {  	s3 =	sld [smem:$0x3FFE];
	_ =	sdelay $0x1  }
0x8a: {  	s1 =	srdreg.scid  }
0x8b: {  	s0 =	sand.u32 $0x1, s1  }
0x8c: {  	s17 =	sshll.u32 s0, $0xA;
	s2 =	sadd.s32 s3, s2  }
0x8d: {  	s2 =	sadd.s32 s2, s17  }
0x8e: {  	[smem:$0x3FBF] =	sst s2  }
0x8f: {  	_ = 	snop  }
0x90: {  	s2 =	sld [smem:$0x3FD0];
	(tm) =	ssettm $0x1  }
0x91: {  	s18 =	sld [smem:$0x3FFB];
	_ =	sdelay $0x3  }
0x92: {  	_ =	strace s18  }
0x93: {  	s3 =	sld [smem:$0x3FFC];
	_ =	sdelay $0x3  }
0x94: {  	_ =	strace s3  }
0x95: {  	s3 =	sld [smem:$0x3FFD];
	_ =	sdelay $0x3  }
0x96: {  	_ =	strace s3  }
0x97: {  	_ =	strace $0x8FFFFFFF  }
0x98: {  	s19 =	sld [smem:$0x3FDB];
	_ =	sdelay $0x1  }
0x99: {  	s4 =	simm.s32 $_scs_section_size  }
0x9a: {  	s5 =	simm.s32 $_size__tile_overlayer_lowered;
	s6 =	simm.s32 $_tile_overlayer_lowered  }
0x9b: {  	s22 =	simm.s32 $0x1BFF;
	s21 =	sshll.u32 s6, $0x1;
	s3 =	sadd.s32 s4, s19  }
0x9c: {  	s7 =	simm.s32 $0x0;
	s20 =	sshll.u32 s5, $0x1;
	s5 =	sadd.s32 s21, s3  }
0x9d: {  	[timem:s7], [sflag:s22] =	dma.local [hbm:s5], s20  }
0x9e: {  	_ =	swait.ge [sflag:s22], s20  }
0x9f: {  	s4 =	ssub.s32 $0x0, s20;
	[sflag:s22] =	ssyncset.done $0x0  }
0xa0: {  	[sflag:s22] =	ssyncadd.s32 s4;
	_ =	sdelay $0x1  }
0xa1: {  	s23 =	simm.s32 $0x1B8B  }
0xa2: {  	_ =	swait.ge [sflag:s23], $0x1  }
0xa3: {  	[sflag:s23] =	ssyncset.done $0x0  }
0xa4: {  	s25 =	simm.s32 $0x1B8E;
	s24 =	sld [smem:$0x3FFE];
	[sflag:s23] =	ssyncadd.s32 $0xFFFFFFFF  }
0xa5: {  	s26 =	simm.s32 $execute0_lowered;
	[smem:$0x3FD2] =	sst s25  }
0xa6: {  	s5 =	sshll.u32 s26, $0x1;
	_ =	strace $0x80000046;
	[dreg:$0x1] =	wrdreg $0xFFFFFFFF  }
0xa7: {  	s28 =	simm.s32 $_size_execute0_lowered;
	s3 =	sadd.s32 s3, s5;
	[dreg:$0x0] =	wrdreg $0x0  }
0xa8: {  	s5 =	sshll.u32 s28, $0x1;
	[dreg:$0x2] =	wrdreg s3  }
0xa9: {  	[dreg:$0x3] =	wrdreg s5  }
0xaa: {  	[dreg:$0x4] =	wrdreg $0xC0  }
0xab: {  	_ =	task [dreg:s7], $0x5FFFF  }
0xac: {  	[dreg:$0x1] =	wrdreg $0xFFFFFFFF  }
0xad: {  	[dreg:$0x0] =	wrdreg $0x60  }
0xae: {  	[dreg:$0x2] =	wrdreg s24  }
0xaf: {  	[dreg:$0x3] =	wrdreg s2  }
0xb0: {  	[dreg:$0x4] =	wrdreg $0x9  }
0xb1: {  	_ =	task.clear_ibuf [dreg:s7], $0x5FFFF;
	_ =	strace $0x90000046  }
0xb2: {  	s29 =	simm.s32 $0x9;
	_ =	strace $0x80000048  }
0xb3: {  	_ =	swait.ge [sflag:s29], $0x1  }
0xb4: {  	[sflag:s29] =	ssyncadd.s32 $0xFFFFFFFF  }
0xb5: {  	_ =	strace $0x90000048  }
0xb6: {  	_ =	sfence  }
0xb7: {  	s30 =	sld [smem:$0x0];
	_ =	sdelay $0x2  }
0xb8: {  	s31 =	sshll.u32 s1, $0xD;
	s1 =	sshrl.u32 s1, $0x2  }
0xb9: {  	s3 =	sand.u32 $0x4000, s31;
	s1 =	sadd.s32 s1, s30  }
0xba: {  	s0 =	sor.u32 s3, s0;
	s1 =	sshll.u32 s1, $0x11  }
0xbb: {  	s0 =	sor.u32 s1, s0  }
0xbc: {  	s0 =	sadd.s32 $0x8F2B, s0  }
0xbd: {  	[sflag:s0] =	ssyncadd.remote.s32 $0x1  }
0xbe: {  	_ =	sfence.sel $0xFFFF  }
0xbf: {  	[dreg:$0x0] =	wrdreg $0xFFFFFFFF;
	(pc) =	sbr.abs _section_cstart, $3  }
0xc0: {  	[dreg:$0x1] =	wrdreg $0xFFFFFFFF  }
0xc1: {  	_ =	task.clear_ibuf [dreg:s7], $0x2FFFF;
	_ =	strace $0x9FFFFFFF  }
0xc2: {  	(tm) =	ssettm $0x7FFFFFFF  }
0xc3: {  	_ =	shalt  }
tec
execute0_lowered:
.L_overlay_start_1:
0x0: {  	(tag) =	ssettag $0x1  }
0x1: {  	s0 =	srdreg.scid;
	s5 =	rddreg [dreg:$0x0]  }
0x2: {  	s23 =	stileid.u32;
	s2 =	rddreg [dreg:$0x1];
	s3 =	simm.s32 $0x0  }
0x3: {  	s11 =	simm.s32 $0x5;
	s12 =	simm.s32 $0x100;
	s13 =	simm.s32 $0x900  }
0x4: {  	s14 =	simm.s32 $0x1100;
	s15 =	simm.s32 $0x1900;
	s16 =	simm.s32 $0x2100  }
0x5: {  	s17 =	simm.s32 $0x2900;
	s18 =	simm.s32 $0x3100;
	s19 =	simm.s32 $0x3900  }
0x6: {  	s20 =	simm.s32 $0x4100;
	s21 =	simm.s32 $0x4900;
	s22 =	simm.s32 $0x5100  }
0x7: {  	s28 =	simm.s32 $0x7900;
	s29 =	simm.s32 $0x1;
	s30 =	simm.s32 $0x3  }
0x8: {  	s31 =	simm.s32 $0x2;
	s1 =	sand.u32 $0x1, s0;
	s6 =	smul.u32 $0xC0, s23  }
0x9: {  	[smem:$0x7FF] =	sst s3;
	s4 =	smul.u32 $0xC00, s1;
	s1 =	ssub.s32 $0x2, s1  }
0xa: {  	s23 =	simm.s32 $0x5900;
	_ =	strace $0x80000047;
	s25 =	sshrl.u32 s1, $0x1  }
0xb: {  	s4 =	sadd.s32 s6, s4;
	s1 =	ssub.s32 s1, s25;
	s25 =	simm.s32 $0x6900  }
0xc: {  	s6 =	sshrl.u32 s4, $0x3;
	s4 =	sshll.u32 s4, $0x6;
	s10 =	smax.u32 s1, $0x1  }
0xd: {  	s1 =	simm.s32 $0x4;
	s6 =	sadd.s32 s6, s5;
	s9 =	sadd.s32 s4, s5  }
0xe: {  	s4 =	sadd.s32 $0x100, s2;
	s24 =	sadd.s32 $0x1A00, s6;
	s26 =	sadd.s32 $0x1E00, s9  }
0xf: {  	v2 =	vlaneseq.u32;
	s5 =	sadd.s32 $0x2600, s9;
	s6 =	sadd.s32 $0x2E00, s9;
	s7 =	sadd.s32 $0x3600, s9  }
0x10: {  	vm0 =	vmmov $0xffff;
	v1 =	vshrl.u32 v2, $0x3;
	s8 =	sadd.s32 $0x3E00, s9;
	s9 =	sadd.s32 $0x4600, s9;
	[dreg:$0x3] =	wrdreg s24  }
0x11: {  	v0 =	vand.u32 $0x7, v2;
	v2 =	vor.u32 $0x8, v2;
	v1 =	vmul.u32 $0x8, v1;
	[dreg:$0x4] =	wrdreg s26;
	s24 =	simm.s32 $0x6100;
	s26 =	simm.s32 $0x7100  }
.LBB2_1:
0x12: {  	s0 =	rddreg [dreg:$0x3]  }
0x13: {  	[tilespmem:s3], [sflag:$0x5] =	stream.linear.gather [hbm4b:s0+s3], $0xC0, $0x38;
	[tilespmem:$0x8100] =	vst v63  }
0x14: {  	_ =	swait.ge [sflag:s11], $0xC0  }
0x15: {  	[sflag:s11] =	ssyncset.done $0x0  }
0x16: {  	[sflag:s11] =	ssyncadd.s32 $0xFFFFFF40  }
0x17: {  	v3 =	vld [tilespmem:$0x0];
	_ =	sdelay $0x4  }
0x18: {  	v4 =	vshll.u32 v3, $0x2  }
0x19: {  	v3 =	vand.u32 $0x7, v3;
	v4 =	vand.u32 $0xFFFFFFE0, v4  }
0x1a: {  	v3 =	vor.u32 v3, v4  }
0x1b: {  	v4 =	vperm.xlane v3, v0;
	_ =	sdelay $0x1  }
0x1c: {  	v4 =	vadd.s32 v1, v4;
	_ =	sdelay $0x1  }
0x1d: {  	v3 =	vperm.xlane v3, v2;
	_ =	sdelay $0x1  }
0x1e: {  	v3 =	vadd.s32 v1, v3  }
0x1f: {  	[tilespmem:s12], [sflag:$0x1] =	stream.indirect_vreg.gather [hbm4b:s2+s3], $0x80, v4, vm0, $0xb8;
	[tilespmem:$0x8100] =	vst v63  }
0x20: {  	_ = 	snop  }
0x21: {  	[tilespmem:s13], [sflag:$0x1] =	stream.indirect_vreg.gather [hbm4b:s4+s3], $0x80, v4, vm0, $0xb8;
	[tilespmem:$0x8100] =	vst v63  }
0x22: {  	_ = 	snop  }
0x23: {  	[tilespmem:s14], [sflag:$0x1] =	stream.indirect_vreg.gather [hbm4b:s2+s3], $0x80, v3, vm0, $0xb8;
	[tilespmem:$0x8100] =	vst v63  }
0x24: {  	_ = 	snop  }
0x25: {  	[tilespmem:s15], [sflag:$0x1] =	stream.indirect_vreg.gather [hbm4b:s4+s3], $0x80, v3, vm0, $0xb8;
	[tilespmem:$0x8100] =	vst v63  }
0x26: {  	v3 =	vld [tilespmem:$0x10];
	_ =	sdelay $0x4  }
0x27: {  	v53 =	vshll.u32 v3, $0x2  }
0x28: {  	v3 =	vand.u32 $0x7, v3;
	v4 =	vand.u32 $0xFFFFFFE0, v53  }
0x29: {  	v3 =	vor.u32 v3, v4  }
0x2a: {  	v4 =	vperm.xlane v3, v0;
	_ =	sdelay $0x1  }
0x2b: {  	v4 =	vadd.s32 v1, v4;
	_ =	sdelay $0x1  }
0x2c: {  	v3 =	vperm.xlane v3, v2;
	_ =	sdelay $0x1  }
0x2d: {  	v3 =	vadd.s32 v1, v3  }
0x2e: {  	[tilespmem:s16], [sflag:$0x1] =	stream.indirect_vreg.gather [hbm4b:s2+s3], $0x80, v4, vm0, $0xb8;
	[tilespmem:$0x8100] =	vst v63  }
0x2f: {  	_ = 	snop  }
0x30: {  	[tilespmem:s17], [sflag:$0x1] =	stream.indirect_vreg.gather [hbm4b:s4+s3], $0x80, v4, vm0, $0xb8;
	[tilespmem:$0x8100] =	vst v63  }
0x31: {  	_ = 	snop  }
0x32: {  	[tilespmem:s18], [sflag:$0x1] =	stream.indirect_vreg.gather [hbm4b:s2+s3], $0x80, v3, vm0, $0xb8;
	[tilespmem:$0x8100] =	vst v63  }
0x33: {  	_ = 	snop  }
0x34: {  	[tilespmem:s19], [sflag:$0x1] =	stream.indirect_vreg.gather [hbm4b:s4+s3], $0x80, v3, vm0, $0xb8;
	[tilespmem:$0x8100] =	vst v63  }
0x35: {  	v3 =	vld [tilespmem:$0x20];
	_ =	sdelay $0x4  }
0x36: {  	v54 =	vshll.u32 v3, $0x2  }
0x37: {  	v3 =	vand.u32 $0x7, v3;
	v4 =	vand.u32 $0xFFFFFFE0, v54  }
0x38: {  	v3 =	vor.u32 v3, v4  }
0x39: {  	v4 =	vperm.xlane v3, v0;
	_ =	sdelay $0x1  }
0x3a: {  	v4 =	vadd.s32 v1, v4;
	_ =	sdelay $0x1  }
0x3b: {  	v3 =	vperm.xlane v3, v2;
	_ =	sdelay $0x1  }
0x3c: {  	v3 =	vadd.s32 v1, v3  }
0x3d: {  	[tilespmem:s20], [sflag:$0x2] =	stream.indirect_vreg.gather [hbm4b:s2+s3], $0x80, v4, vm0, $0xb8;
	[tilespmem:$0x8100] =	vst v63  }
0x3e: {  	_ = 	snop  }
0x3f: {  	[tilespmem:s21], [sflag:$0x2] =	stream.indirect_vreg.gather [hbm4b:s4+s3], $0x80, v4, vm0, $0xb8;
	[tilespmem:$0x8100] =	vst v63  }
0x40: {  	_ = 	snop  }
0x41: {  	[tilespmem:s22], [sflag:$0x2] =	stream.indirect_vreg.gather [hbm4b:s2+s3], $0x80, v3, vm0, $0xb8;
	[tilespmem:$0x8100] =	vst v63  }
0x42: {  	_ = 	snop  }
0x43: {  	[tilespmem:s23], [sflag:$0x2] =	stream.indirect_vreg.gather [hbm4b:s4+s3], $0x80, v3, vm0, $0xb8;
	[tilespmem:$0x8100] =	vst v63  }
0x44: {  	v3 =	vld [tilespmem:$0x30];
	_ =	sdelay $0x4  }
0x45: {  	v55 =	vshll.u32 v3, $0x2  }
0x46: {  	v3 =	vand.u32 $0x7, v3;
	v4 =	vand.u32 $0xFFFFFFE0, v55  }
0x47: {  	v3 =	vor.u32 v3, v4  }
0x48: {  	v4 =	vperm.xlane v3, v0;
	_ =	sdelay $0x1  }
0x49: {  	v4 =	vadd.s32 v1, v4;
	_ =	sdelay $0x1  }
0x4a: {  	v3 =	vperm.xlane v3, v2;
	_ =	sdelay $0x1  }
0x4b: {  	v3 =	vadd.s32 v1, v3  }
0x4c: {  	[tilespmem:s24], [sflag:$0x2] =	stream.indirect_vreg.gather [hbm4b:s2+s3], $0x80, v4, vm0, $0xb8;
	[tilespmem:$0x8100] =	vst v63  }
0x4d: {  	_ = 	snop  }
0x4e: {  	[tilespmem:s25], [sflag:$0x2] =	stream.indirect_vreg.gather [hbm4b:s4+s3], $0x80, v4, vm0, $0xb8;
	[tilespmem:$0x8100] =	vst v63  }
0x4f: {  	_ = 	snop  }
0x50: {  	[tilespmem:s26], [sflag:$0x2] =	stream.indirect_vreg.gather [hbm4b:s2+s3], $0x80, v3, vm0, $0xb8;
	[tilespmem:$0x8100] =	vst v63  }
0x51: {  	_ = 	snop  }
0x52: {  	[tilespmem:s28], [sflag:$0x2] =	stream.indirect_vreg.gather [hbm4b:s4+s3], $0x80, v3, vm0, $0xb8;
	[tilespmem:$0x8100] =	vst v63  }
0x53: {  	_ =	swait.ge [sflag:s29], $0x4000  }
0x54: {  	[sflag:s29] =	ssyncset.done $0x0  }
0x55: {  	s0 =	rddreg [dreg:$0x4];
	[sflag:s29] =	ssyncadd.s32 $0xFFFFC000  }
0x56: {  	[hbm4b:s0+s3] =	stream.linear.scatter [tilespmem:s12], [sflag:$0x3], $0x4000, $0x38;
	[tilespmem:$0x8100] =	vst v63  }
0x57: {  	_ =	swait.ge [sflag:s30], $0x4000  }
0x58: {  	[sflag:s30] =	ssyncset.done $0x0  }
0x59: {  	[sflag:s30] =	ssyncadd.s32 $0xFFFFC000  }
0x5a: {  	v3 =	vld [tilespmem:$0x40];
	_ =	sdelay $0x4  }
0x5b: {  	v56 =	vshll.u32 v3, $0x2  }
0x5c: {  	v3 =	vand.u32 $0x7, v3;
	v4 =	vand.u32 $0xFFFFFFE0, v56  }
0x5d: {  	v3 =	vor.u32 v3, v4  }
0x5e: {  	v4 =	vperm.xlane v3, v0;
	_ =	sdelay $0x1  }
0x5f: {  	v4 =	vadd.s32 v1, v4;
	_ =	sdelay $0x1  }
0x60: {  	v3 =	vperm.xlane v3, v2;
	_ =	sdelay $0x1  }
0x61: {  	v3 =	vadd.s32 v1, v3  }
0x62: {  	[tilespmem:s12], [sflag:$0x1] =	stream.indirect_vreg.gather [hbm4b:s2+s3], $0x80, v4, vm0, $0xb8;
	[tilespmem:$0x8100] =	vst v63  }
0x63: {  	_ = 	snop  }
0x64: {  	[tilespmem:s13], [sflag:$0x1] =	stream.indirect_vreg.gather [hbm4b:s4+s3], $0x80, v4, vm0, $0xb8;
	[tilespmem:$0x8100] =	vst v63  }
0x65: {  	_ = 	snop  }
0x66: {  	[tilespmem:s14], [sflag:$0x1] =	stream.indirect_vreg.gather [hbm4b:s2+s3], $0x80, v3, vm0, $0xb8;
	[tilespmem:$0x8100] =	vst v63  }
0x67: {  	_ = 	snop  }
0x68: {  	[tilespmem:s15], [sflag:$0x1] =	stream.indirect_vreg.gather [hbm4b:s4+s3], $0x80, v3, vm0, $0xb8;
	[tilespmem:$0x8100] =	vst v63  }
0x69: {  	v3 =	vld [tilespmem:$0x50];
	_ =	sdelay $0x4  }
0x6a: {  	v57 =	vshll.u32 v3, $0x2  }
0x6b: {  	v3 =	vand.u32 $0x7, v3;
	v4 =	vand.u32 $0xFFFFFFE0, v57  }
0x6c: {  	v3 =	vor.u32 v3, v4  }
0x6d: {  	v4 =	vperm.xlane v3, v0;
	_ =	sdelay $0x1  }
0x6e: {  	v4 =	vadd.s32 v1, v4;
	_ =	sdelay $0x1  }
0x6f: {  	v3 =	vperm.xlane v3, v2;
	_ =	sdelay $0x1  }
0x70: {  	v3 =	vadd.s32 v1, v3  }
0x71: {  	[tilespmem:s16], [sflag:$0x1] =	stream.indirect_vreg.gather [hbm4b:s2+s3], $0x80, v4, vm0, $0xb8;
	[tilespmem:$0x8100] =	vst v63  }
0x72: {  	_ = 	snop  }
0x73: {  	[tilespmem:s17], [sflag:$0x1] =	stream.indirect_vreg.gather [hbm4b:s4+s3], $0x80, v4, vm0, $0xb8;
	[tilespmem:$0x8100] =	vst v63  }
0x74: {  	_ = 	snop  }
0x75: {  	[tilespmem:s18], [sflag:$0x1] =	stream.indirect_vreg.gather [hbm4b:s2+s3], $0x80, v3, vm0, $0xb8;
	[tilespmem:$0x8100] =	vst v63  }
0x76: {  	_ = 	snop  }
0x77: {  	[tilespmem:s19], [sflag:$0x1] =	stream.indirect_vreg.gather [hbm4b:s4+s3], $0x80, v3, vm0, $0xb8;
	[tilespmem:$0x8100] =	vst v63  }
0x78: {  	_ =	swait.ge [sflag:s31], $0x4000  }
0x79: {  	[sflag:s31] =	ssyncset.done $0x0  }
0x7a: {  	[sflag:s31] =	ssyncadd.s32 $0xFFFFC000  }
0x7b: {  	[hbm4b:s5+s3] =	stream.linear.scatter [tilespmem:s20], [sflag:$0x4], $0x4000, $0x38;
	[tilespmem:$0x8100] =	vst v63  }
0x7c: {  	_ =	swait.ge [sflag:s1], $0x4000  }
0x7d: {  	[sflag:s1] =	ssyncset.done $0x0  }
0x7e: {  	[sflag:s1] =	ssyncadd.s32 $0xFFFFC000  }
0x7f: {  	v3 =	vld [tilespmem:$0x60];
	_ =	sdelay $0x4  }
0x80: {  	v58 =	vshll.u32 v3, $0x2  }
0x81: {  	v3 =	vand.u32 $0x7, v3;
	v4 =	vand.u32 $0xFFFFFFE0, v58  }
0x82: {  	v3 =	vor.u32 v3, v4  }
0x83: {  	v4 =	vperm.xlane v3, v0;
	_ =	sdelay $0x1  }
0x84: {  	v4 =	vadd.s32 v1, v4;
	_ =	sdelay $0x1  }
0x85: {  	v3 =	vperm.xlane v3, v2;
	_ =	sdelay $0x1  }
0x86: {  	v3 =	vadd.s32 v1, v3  }
0x87: {  	[tilespmem:s20], [sflag:$0x2] =	stream.indirect_vreg.gather [hbm4b:s2+s3], $0x80, v4, vm0, $0xb8;
	[tilespmem:$0x8100] =	vst v63  }
0x88: {  	_ = 	snop  }
0x89: {  	[tilespmem:s21], [sflag:$0x2] =	stream.indirect_vreg.gather [hbm4b:s4+s3], $0x80, v4, vm0, $0xb8;
	[tilespmem:$0x8100] =	vst v63  }
0x8a: {  	_ = 	snop  }
0x8b: {  	[tilespmem:s22], [sflag:$0x2] =	stream.indirect_vreg.gather [hbm4b:s2+s3], $0x80, v3, vm0, $0xb8;
	[tilespmem:$0x8100] =	vst v63  }
0x8c: {  	_ = 	snop  }
0x8d: {  	[tilespmem:s23], [sflag:$0x2] =	stream.indirect_vreg.gather [hbm4b:s4+s3], $0x80, v3, vm0, $0xb8;
	[tilespmem:$0x8100] =	vst v63  }
0x8e: {  	v3 =	vld [tilespmem:$0x70];
	_ =	sdelay $0x4  }
0x8f: {  	v59 =	vshll.u32 v3, $0x2  }
0x90: {  	v3 =	vand.u32 $0x7, v3;
	v4 =	vand.u32 $0xFFFFFFE0, v59  }
0x91: {  	v3 =	vor.u32 v3, v4  }
0x92: {  	v4 =	vperm.xlane v3, v0;
	_ =	sdelay $0x1  }
0x93: {  	v4 =	vadd.s32 v1, v4;
	_ =	sdelay $0x1  }
0x94: {  	v3 =	vperm.xlane v3, v2;
	_ =	sdelay $0x1  }
0x95: {  	v3 =	vadd.s32 v1, v3  }
0x96: {  	[tilespmem:s24], [sflag:$0x2] =	stream.indirect_vreg.gather [hbm4b:s2+s3], $0x80, v4, vm0, $0xb8;
	[tilespmem:$0x8100] =	vst v63  }
0x97: {  	_ = 	snop  }
0x98: {  	[tilespmem:s25], [sflag:$0x2] =	stream.indirect_vreg.gather [hbm4b:s4+s3], $0x80, v4, vm0, $0xb8;
	[tilespmem:$0x8100] =	vst v63  }
0x99: {  	_ = 	snop  }
0x9a: {  	[tilespmem:s26], [sflag:$0x2] =	stream.indirect_vreg.gather [hbm4b:s2+s3], $0x80, v3, vm0, $0xb8;
	[tilespmem:$0x8100] =	vst v63  }
0x9b: {  	_ = 	snop  }
0x9c: {  	[tilespmem:s28], [sflag:$0x2] =	stream.indirect_vreg.gather [hbm4b:s4+s3], $0x80, v3, vm0, $0xb8;
	[tilespmem:$0x8100] =	vst v63  }
0x9d: {  	_ =	swait.ge [sflag:s29], $0x4000  }
0x9e: {  	[sflag:s29] =	ssyncset.done $0x0  }
0x9f: {  	[sflag:s29] =	ssyncadd.s32 $0xFFFFC000  }
0xa0: {  	[hbm4b:s6+s3] =	stream.linear.scatter [tilespmem:s12], [sflag:$0x3], $0x4000, $0x38;
	[tilespmem:$0x8100] =	vst v63  }
0xa1: {  	_ =	swait.ge [sflag:s30], $0x4000  }
0xa2: {  	[sflag:s30] =	ssyncset.done $0x0  }
0xa3: {  	[sflag:s30] =	ssyncadd.s32 $0xFFFFC000  }
0xa4: {  	v3 =	vld [tilespmem:$0x80];
	_ =	sdelay $0x4  }
0xa5: {  	v60 =	vshll.u32 v3, $0x2  }
0xa6: {  	v3 =	vand.u32 $0x7, v3;
	v4 =	vand.u32 $0xFFFFFFE0, v60  }
0xa7: {  	v3 =	vor.u32 v3, v4  }
0xa8: {  	v4 =	vperm.xlane v3, v0;
	_ =	sdelay $0x1  }
0xa9: {  	v4 =	vadd.s32 v1, v4;
	_ =	sdelay $0x1  }
0xaa: {  	v3 =	vperm.xlane v3, v2;
	_ =	sdelay $0x1  }
0xab: {  	v3 =	vadd.s32 v1, v3  }
0xac: {  	[tilespmem:s12], [sflag:$0x1] =	stream.indirect_vreg.gather [hbm4b:s2+s3], $0x80, v4, vm0, $0xb8;
	[tilespmem:$0x8100] =	vst v63  }
0xad: {  	_ = 	snop  }
0xae: {  	[tilespmem:s13], [sflag:$0x1] =	stream.indirect_vreg.gather [hbm4b:s4+s3], $0x80, v4, vm0, $0xb8;
	[tilespmem:$0x8100] =	vst v63  }
0xaf: {  	_ = 	snop  }
0xb0: {  	[tilespmem:s14], [sflag:$0x1] =	stream.indirect_vreg.gather [hbm4b:s2+s3], $0x80, v3, vm0, $0xb8;
	[tilespmem:$0x8100] =	vst v63  }
0xb1: {  	_ = 	snop  }
0xb2: {  	[tilespmem:s15], [sflag:$0x1] =	stream.indirect_vreg.gather [hbm4b:s4+s3], $0x80, v3, vm0, $0xb8;
	[tilespmem:$0x8100] =	vst v63  }
0xb3: {  	v3 =	vld [tilespmem:$0x90];
	_ =	sdelay $0x4  }
0xb4: {  	v61 =	vshll.u32 v3, $0x2  }
0xb5: {  	v3 =	vand.u32 $0x7, v3;
	v4 =	vand.u32 $0xFFFFFFE0, v61  }
0xb6: {  	v3 =	vor.u32 v3, v4  }
0xb7: {  	v4 =	vperm.xlane v3, v0;
	_ =	sdelay $0x1  }
0xb8: {  	v4 =	vadd.s32 v1, v4;
	_ =	sdelay $0x1  }
0xb9: {  	v3 =	vperm.xlane v3, v2;
	_ =	sdelay $0x1  }
0xba: {  	v3 =	vadd.s32 v1, v3  }
0xbb: {  	[tilespmem:s16], [sflag:$0x1] =	stream.indirect_vreg.gather [hbm4b:s2+s3], $0x80, v4, vm0, $0xb8;
	[tilespmem:$0x8100] =	vst v63  }
0xbc: {  	_ = 	snop  }
0xbd: {  	[tilespmem:s17], [sflag:$0x1] =	stream.indirect_vreg.gather [hbm4b:s4+s3], $0x80, v4, vm0, $0xb8;
	[tilespmem:$0x8100] =	vst v63  }
0xbe: {  	_ = 	snop  }
0xbf: {  	[tilespmem:s18], [sflag:$0x1] =	stream.indirect_vreg.gather [hbm4b:s2+s3], $0x80, v3, vm0, $0xb8;
	[tilespmem:$0x8100] =	vst v63  }
0xc0: {  	_ = 	snop  }
0xc1: {  	[tilespmem:s19], [sflag:$0x1] =	stream.indirect_vreg.gather [hbm4b:s4+s3], $0x80, v3, vm0, $0xb8;
	[tilespmem:$0x8100] =	vst v63  }
0xc2: {  	_ =	swait.ge [sflag:s31], $0x4000  }
0xc3: {  	[sflag:s31] =	ssyncset.done $0x0  }
0xc4: {  	[sflag:s31] =	ssyncadd.s32 $0xFFFFC000  }
0xc5: {  	[hbm4b:s7+s3] =	stream.linear.scatter [tilespmem:s20], [sflag:$0x4], $0x4000, $0x38;
	[tilespmem:$0x8100] =	vst v63  }
0xc6: {  	_ =	swait.ge [sflag:s1], $0x4000  }
0xc7: {  	[sflag:s1] =	ssyncset.done $0x0  }
0xc8: {  	[sflag:s1] =	ssyncadd.s32 $0xFFFFC000  }
0xc9: {  	v3 =	vld [tilespmem:$0xA0];
	_ =	sdelay $0x4  }
0xca: {  	v62 =	vshll.u32 v3, $0x2  }
0xcb: {  	v3 =	vand.u32 $0x7, v3;
	v4 =	vand.u32 $0xFFFFFFE0, v62  }
0xcc: {  	v3 =	vor.u32 v3, v4  }
0xcd: {  	v4 =	vperm.xlane v3, v0;
	_ =	sdelay $0x1  }
0xce: {  	v4 =	vadd.s32 v1, v4;
	_ =	sdelay $0x1  }
0xcf: {  	v3 =	vperm.xlane v3, v2;
	_ =	sdelay $0x1  }
0xd0: {  	v3 =	vadd.s32 v1, v3  }
0xd1: {  	[tilespmem:s20], [sflag:$0x2] =	stream.indirect_vreg.gather [hbm4b:s2+s3], $0x80, v4, vm0, $0xb8;
	[tilespmem:$0x8100] =	vst v63  }
0xd2: {  	_ = 	snop  }
0xd3: {  	[tilespmem:s21], [sflag:$0x2] =	stream.indirect_vreg.gather [hbm4b:s4+s3], $0x80, v4, vm0, $0xb8;
	[tilespmem:$0x8100] =	vst v63  }
0xd4: {  	_ = 	snop  }
0xd5: {  	[tilespmem:s22], [sflag:$0x2] =	stream.indirect_vreg.gather [hbm4b:s2+s3], $0x80, v3, vm0, $0xb8;
	[tilespmem:$0x8100] =	vst v63  }
0xd6: {  	_ = 	snop  }
0xd7: {  	[tilespmem:s23], [sflag:$0x2] =	stream.indirect_vreg.gather [hbm4b:s4+s3], $0x80, v3, vm0, $0xb8;
	[tilespmem:$0x8100] =	vst v63  }
0xd8: {  	v3 =	vld [tilespmem:$0xB0];
	_ =	sdelay $0x4  }
0xd9: {  	v63 =	vshll.u32 v3, $0x2  }
0xda: {  	v3 =	vand.u32 $0x7, v3;
	v4 =	vand.u32 $0xFFFFFFE0, v63  }
0xdb: {  	v3 =	vor.u32 v3, v4  }
0xdc: {  	v4 =	vperm.xlane v3, v0;
	_ =	sdelay $0x1  }
0xdd: {  	v4 =	vadd.s32 v1, v4;
	_ =	sdelay $0x1  }
0xde: {  	v3 =	vperm.xlane v3, v2;
	_ =	sdelay $0x1  }
0xdf: {  	v3 =	vadd.s32 v1, v3  }
0xe0: {  	[tilespmem:s24], [sflag:$0x2] =	stream.indirect_vreg.gather [hbm4b:s2+s3], $0x80, v4, vm0, $0xb8;
	[tilespmem:$0x8100] =	vst v63  }
0xe1: {  	_ = 	snop  }
0xe2: {  	[tilespmem:s25], [sflag:$0x2] =	stream.indirect_vreg.gather [hbm4b:s4+s3], $0x80, v4, vm0, $0xb8;
	[tilespmem:$0x8100] =	vst v63  }
0xe3: {  	_ = 	snop  }
0xe4: {  	[tilespmem:s26], [sflag:$0x2] =	stream.indirect_vreg.gather [hbm4b:s2+s3], $0x80, v3, vm0, $0xb8;
	[tilespmem:$0x8100] =	vst v63  }
0xe5: {  	_ = 	snop  }
0xe6: {  	[tilespmem:s28], [sflag:$0x2] =	stream.indirect_vreg.gather [hbm4b:s4+s3], $0x80, v3, vm0, $0xb8;
	[tilespmem:$0x8100] =	vst v63  }
0xe7: {  	_ =	swait.ge [sflag:s29], $0x4000  }
0xe8: {  	[sflag:s29] =	ssyncset.done $0x0  }
0xe9: {  	[sflag:s29] =	ssyncadd.s32 $0xFFFFC000  }
0xea: {  	[hbm4b:s8+s3] =	stream.linear.scatter [tilespmem:s12], [sflag:$0x3], $0x4000, $0x38;
	[tilespmem:$0x8100] =	vst v63  }
0xeb: {  	_ =	swait.ge [sflag:s31], $0x4000  }
0xec: {  	[sflag:s31] =	ssyncset.done $0x0  }
0xed: {  	[sflag:s31] =	ssyncadd.s32 $0xFFFFC000  }
0xee: {  	[hbm4b:s9+s3] =	stream.linear.scatter [tilespmem:s20], [sflag:$0x4], $0x4000, $0x38;
	[tilespmem:$0x8100] =	vst v63  }
0xef: {  	p0 =	sne.s32 s10, $0x1;
	_ =	swait.ge [sflag:s30], $0x4000  }
.Ltmp0:
0xf0: {  	[sflag:s30] =	ssyncset.done $0x0;
	(pc) =	sbr.rel @p0 .LBB2_1-.Ltmp0, $4  }
0xf1: {  	[sflag:s30] =	ssyncadd.s32 $0xFFFFC000  }
0xf2: {  	_ =	swait.ge [sflag:s1], $0x4000  }
0xf3: {  	[sflag:s1] =	ssyncset.done $0x0  }
0xf4: {  	s10 =	sadd.s32 $0xFFFFFFFF, s10;
	[sflag:s1] =	ssyncadd.s32 $0xFFFFC000  }
0xf5: {  	_ =	sfence.sel $0x180000  }
0xf6: {  	[bflag:$0x0] =	sbarrier.arrive $0xFFFF  }
0xf7: {  	_ =	strace $0x90000047  }
0xf8: {  	s0 =	stileid.u32;
	[bflag:$0x2] =	sbarrier.arrive $0xFFFF  }
0xf9: {  	p0 =	sne.s32 s0, $0x0;
	s0 =	rddreg [dreg:$0x2]  }
0xfa: {  	s0 =	sadd.s32 @!p0 $0x100000, s0  }
0xfb: {  	[sflag:s0] =	ssyncadd.tile.s32 @!p0 $0x1;
	_ =	shalt  }
.Lfunc_end2:
_tile_overlayer_lowered:
.L_overlay_start_2:
0xfc: {  	(tag) =	ssettag $0x2  }
0xfd: {  	s0 =	rddreg [dreg:$0x0];
	s2 =	stileid.u32  }
0xfe: {  	s1 =	rddreg [dreg:$0x1];
	p0 =	sne.s32 s2, $0x0  }
0xff: {  	s3 =	rddreg [dreg:$0x2];
	[bflag:$0x3] =	sbarrier.arrive $0xFFFF;
	s2 =	simm.s32 @!p0 $0x1C05  }
0x100: {  	[timem:s3], [sflag:s2] =	dma.local @!p0 [hbm:s0], s1  }
0x101: {  	s0 =	simm.s32 @!p0 $0x5  }
0x102: {  	_ =	swait.ge @!p0 [sflag:s0], s1  }
0x103: {  	s1 =	ssub.s32 @!p0 $0x0, s1;
	[sflag:s0] =	ssyncset.done @!p0 $0x0  }
0x104: {  	[sflag:s0] =	ssyncadd.s32 @!p0 s1  }
0x105: {  	[bflag:$0x3] =	sbarrier.arrive $0xFFFF  }
0x106: {  	_ =	shalt  }

</sc_bundles>
